<compile_context>
chip_gen: v7x
topology: tpu7x:2x2x1
jax: 0.10.2.dev20260603
libtpu: 0.0.44.dev20260713+nightly
codegen_flags: <defaults>
</compile_context>

<pallas_src>
import functools

import jax
import jax.numpy as jnp
from jax import lax
from jax.experimental import pallas as pl
from jax.experimental.pallas import tpu as pltpu
from jax.experimental.pallas import tpu_sc as plsc

NUM_CORES = 2
NUM_SUBCORES = 16
NUM_WORKERS = NUM_CORES * NUM_SUBCORES
LANES = 16

VOCAB = 1000000
EMB = 64
B = 1024
L = 512
EPS = 1e-6

ROWS = B * L
ROWS_PER_WORKER = ROWS // NUM_WORKERS
BLK = 128
NBLK = ROWS_PER_WORKER // BLK
NBUF = 4

HALF = 512000


def _pair_body(a_ref, b_ref, o_ref):
    o_ref[...] = jnp.concatenate([a_ref[...].T, b_ref[...].T], axis=1)


def _finish_body(x_ref, src_ref, seg_ref, pos_ref, segt_ref, gam_ref, bet_ref,
                 o_ref):
    x = x_ref[...]
    hf = (src_ref[...] >= HALF).astype(jnp.float32)[..., None]
    lo, hi = x[..., :EMB], x[..., EMB:]
    w = lo + hf * (hi - lo)
    st = segt_ref[...]
    sf1 = (seg_ref[...] >= 1).astype(jnp.float32)[..., None]
    sf2 = (seg_ref[...] >= 2).astype(jnp.float32)[..., None]
    seg_e = st[0] + sf1 * (st[1] - st[0]) + sf2 * (st[2] - st[1])
    e = w + pos_ref[...][None] + seg_e
    mean = jnp.mean(e, axis=-1, keepdims=True)
    var = jnp.mean((e - mean) ** 2, axis=-1, keepdims=True)
    normed = (e - mean) * lax.rsqrt(var + EPS)
    o_ref[...] = normed * gam_ref[...] + bet_ref[...]


def _sc_body(src_hbm, pairs_hbm, out_hbm, idx_v, rows_v, semw, semo):
    wid = lax.axis_index("s") * NUM_CORES + lax.axis_index("c")
    base = wid * ROWS_PER_WORKER

    def prep(g, b):
        row0 = base + g * BLK
        pltpu.sync_copy(src_hbm.at[pl.ds(row0, BLK)], idx_v.at[b])

        def fix_idx(i, c):
            off = i * LANES
            s = idx_v[b, pl.ds(off, LANES)]
            h = jnp.where(s >= jnp.int32(HALF), jnp.int32(1), jnp.int32(0))
            idx_v[b, pl.ds(off, LANES)] = s - h * jnp.int32(HALF)
            return c
        lax.fori_loop(0, BLK // LANES, fix_idx, 0, unroll=4)

    def w_start(b):
        pltpu.async_copy(pairs_hbm.at[idx_v.at[b]], rows_v.at[b], semw.at[b])

    def w_wait(b):
        pltpu.make_async_copy(
            pairs_hbm.at[idx_v.at[b]], rows_v.at[b], semw.at[b]).wait()

    def o_start(g, b):
        row0 = base + g * BLK
        pltpu.async_copy(
            rows_v.at[b], out_hbm.at[pl.ds(row0, BLK)], semo.at[b])

    def o_wait(g, b):
        row0 = base + g * BLK
        pltpu.make_async_copy(
            rows_v.at[b], out_hbm.at[pl.ds(row0, BLK)], semo.at[b]).wait()

    prep(0, 0)
    w_start(0)

    def outer(go, carry):
        for k in range(NBUF):
            g = go * NBUF + k
            b1 = (k + 1) % NBUF

            @pl.when((g + 1 < NBLK) & (g >= NBUF - 1))
            def _():
                o_wait(g + 1 - NBUF, b1)

            @pl.when(g + 1 < NBLK)
            def _():
                prep(g + 1, b1)
                w_start(b1)

            w_wait(k)
            o_start(g, k)
        return carry

    lax.fori_loop(0, NBLK // NBUF, outer, 0)
    for t in range(NBUF):
        g_last = NBLK - NBUF + t
        o_wait(g_last, g_last % NBUF)


def kernel(src, seg, word_table, position_table, segment_table, ln_gamma, ln_beta):
    src_flat = src.reshape(ROWS).astype(jnp.int32)

    wt_t = word_table.T
    nb = HALF // 4096
    last_b = (VOCAB + 4095) // 4096 - 1
    word_pairs = pl.pallas_call(
        _pair_body,
        grid=(nb,),
        in_specs=[pl.BlockSpec((EMB, 4096), lambda i: (0, i)),
                  pl.BlockSpec((EMB, 4096),
                               lambda i: (0, jnp.minimum(i + nb, last_b)))],
        out_specs=pl.BlockSpec((4096, 2 * EMB), lambda i: (i, 0)),
        out_shape=jax.ShapeDtypeStruct((HALF, 2 * EMB), jnp.float32),
    )(wt_t, wt_t)

    mesh = plsc.VectorSubcoreMesh(
        core_axis_name="c", subcore_axis_name="s",
        num_cores=NUM_CORES, num_subcores=NUM_SUBCORES)

    sc_kernel = functools.partial(
        pl.kernel,
        out_type=jax.ShapeDtypeStruct((ROWS, 2 * EMB), jnp.float32),
        mesh=mesh,
        compiler_params=pltpu.CompilerParams(
            needs_layout_passes=False, use_tc_tiling_on_sc=True),
        scratch_types=[
            pltpu.VMEM((NBUF, BLK), jnp.int32),
            pltpu.VMEM((NBUF, BLK, 2 * EMB), jnp.float32),
            pltpu.SemaphoreType.DMA((NBUF,)),
            pltpu.SemaphoreType.DMA((NBUF,)),
        ],
    )(_sc_body)

    gathered = sc_kernel(src_flat, word_pairs)
    gathered = gathered.reshape(B, L, 2 * EMB)

    out_t = pl.pallas_call(
        _finish_body,
        grid=(B // 8,),
        in_specs=[pl.BlockSpec((8, L, 2 * EMB), lambda i: (i, 0, 0)),
                  pl.BlockSpec((8, L), lambda i: (i, 0)),
                  pl.BlockSpec((8, L), lambda i: (i, 0)),
                  pl.BlockSpec((L, EMB), lambda i: (0, 0)),
                  pl.BlockSpec((3, EMB), lambda i: (0, 0)),
                  pl.BlockSpec((EMB,), lambda i: (0,)),
                  pl.BlockSpec((EMB,), lambda i: (0,))],
        out_specs=pl.BlockSpec((8, L, EMB), lambda i: (i, 0, 0)),
        out_shape=jax.ShapeDtypeStruct((B, L, EMB), jnp.float32),
    )(gathered, src, seg, position_table, segment_table, ln_gamma, ln_beta)
    return out_t

# --- scband reference (transcript-rebuilt; emitter-appended) ---
"""Pipeline reference for scband-cscibert-embedding-42520176230720 (READ-ONLY COPY).

The authoritative reference and input builder live on the scoring server;
editing this copy changes nothing except your own understanding.
"""

import jax, jax.numpy as jnp
import numpy as np

VOCAB = 1000000
EMB = 64
B = 1024
L = 512
MAX_LEN = 512
EPS = 1e-6

def setup_inputs(seed: int = 0) -> dict:
    key = jax.random.key(seed)
    k1, k2, k3, k4, k5, k6 = jax.random.split(key, 6)
    src = jax.random.randint(k1, (B, L), 0, VOCAB)
    seg = jax.random.randint(k2, (B, L), 0, 3)
    word_table = jax.random.normal(k3, (VOCAB, EMB), dtype=jnp.float32) * 0.02
    position_table = jax.random.normal(k4, (MAX_LEN, EMB), dtype=jnp.float32) * 0.02
    segment_table = jax.random.normal(k5, (3, EMB), dtype=jnp.float32) * 0.02
    ln_gamma = jnp.ones((EMB,), dtype=jnp.float32)
    ln_beta = jnp.zeros((EMB,), dtype=jnp.float32)
    return {"src": src, "seg": seg, "word_table": word_table,
            "position_table": position_table, "segment_table": segment_table,
            "ln_gamma": ln_gamma, "ln_beta": ln_beta}

def reference(src, seg, word_table, position_table, segment_table, ln_gamma, ln_beta):
    # add_pos=False, add_term=False branch: src is a single [B, L] index tensor
    word_emb = jnp.take(word_table, src, axis=0)                      # [B, L, E]
    pos_ids = jnp.arange(word_emb.shape[1], dtype=src.dtype)          # [L]
    position_emb = jnp.take(position_table, pos_ids, axis=0)[None]    # [1, L, E] (broadcast == repeat over batch)
    seg_emb = jnp.take(segment_table, seg, axis=0)                    # [B, L, E]
    emb = word_emb + position_emb + seg_emb
    mean = jnp.mean(emb, axis=-1, keepdims=True)
    var = jnp.mean((emb - mean) ** 2, axis=-1, keepdims=True)
    normed = (emb - mean) / jnp.sqrt(var + EPS)
    out = normed * ln_gamma + ln_beta
    # dropout is identity in eval mode
    return out

if __name__ == "__main__":
    import jax
    _d = setup_inputs()
    print(jax.jit(kernel)(*tuple(_d.values())))

</pallas_src>

<mosaic_0001>
#map = affine_map<(d0, d1) -> (0)>
#map1 = affine_map<(d0, d1) -> (0, 0)>
module attributes {stable_mosaic.version = 14 : i64} {
  func.func @_sc_body(%arg0: i32, %arg1: i32, %arg2: memref<524288xi32, #tpu.memory_space<hbm>>, %arg3: memref<512000x128xf32, #tpu.memory_space<hbm>>, %arg4: memref<524288x128xf32, #tpu.memory_space<hbm>>, %arg5: memref<4x128xi32, #tpu.memory_space<vmem>>, %arg6: memref<4x128x128xf32, #tpu.memory_space<vmem>>, %arg7: memref<4x!tpu.dma_semaphore, #tpu.memory_space<semaphore_mem>>, %arg8: memref<4x!tpu.dma_semaphore, #tpu.memory_space<semaphore_mem>>) attributes {dimension_semantics = [#tpu.dimension_semantics<core_parallel>, #tpu.dimension_semantics<subcore_parallel>], iteration_bounds = array<i64: 2, 16>, scalar_prefetch = 0 : i64, scratch_operands = 4 : i64, tpu.core_type = #tpu.core_type<sc_vector_subcore>, window_params = [{transform_indices = #map}, {transform_indices = #map1}, {transform_indices = #map1}]} {
    %mul3A = arith.constant 2 : i32
    %mul3A_0 = arith.muli %arg1, %mul3A : i32
    %add3A = arith.addi %mul3A_0, %arg0 : i32
    %mul3A_1 = arith.constant 16384 : i32
    %mul3A_2 = arith.muli %add3A, %mul3A_1 : i32
    %add3A_3 = arith.constant 0 : i32
    %add3A_4 = arith.addi %mul3A_2, %add3A_3 : i32
    %run_scoped3A = arith.constant 0 : i32
    "tpu.region"() ({
      %run_scoped3A_101 = tpu.sem_alloc : memref<!tpu.dma_semaphore, #tpu.memory_space<semaphore_mem>>
      %dma_start3A_102 = arith.constant 0 : i32
      %dma_start3A_103 = tpu.memref_slice %arg5[%run_scoped3A, %dma_start3A_102] : memref<4x128xi32, #tpu.memory_space<vmem>> -> memref<1x128xi32, #tpu.memory_space<vmem>>
      %dma_start3A_104 = tpu.memref_squeeze %dma_start3A_103 : memref<1x128xi32, #tpu.memory_space<vmem>> -> memref<128xi32, #tpu.memory_space<vmem>>
      %dma_start3A_105 = tpu.memref_slice %arg2[%add3A_4] : memref<524288xi32, #tpu.memory_space<hbm>> -> memref<128xi32, #tpu.memory_space<hbm>>
      %dma_start3A_106 = arith.constant 0 : i32
      %dma_start3A_107 = tpu.memref_slice %arg5[%run_scoped3A, %dma_start3A_106] : memref<4x128xi32, #tpu.memory_space<vmem>> -> memref<1x128xi32, #tpu.memory_space<vmem>>
      %dma_start3A_108 = tpu.memref_squeeze %dma_start3A_107 : memref<1x128xi32, #tpu.memory_space<vmem>> -> memref<128xi32, #tpu.memory_space<vmem>>
      %dma_start3A_109 = tpu.memref_slice %arg2[%add3A_4] : memref<524288xi32, #tpu.memory_space<hbm>> -> memref<128xi32, #tpu.memory_space<hbm>>
      tpu.enqueue_dma source(%dma_start3A_109 : memref<128xi32, #tpu.memory_space<hbm>>) target(%dma_start3A_108 : memref<128xi32, #tpu.memory_space<vmem>>) target_semaphore(%run_scoped3A_101 : memref<!tpu.dma_semaphore, #tpu.memory_space<semaphore_mem>>)
      %dma_wait3A_110 = arith.constant 0 : i32
      %dma_wait3A_111 = tpu.memref_slice %arg5[%run_scoped3A, %dma_wait3A_110] : memref<4x128xi32, #tpu.memory_space<vmem>> -> memref<1x128xi32, #tpu.memory_space<vmem>>
      %dma_wait3A_112 = tpu.memref_squeeze %dma_wait3A_111 : memref<1x128xi32, #tpu.memory_space<vmem>> -> memref<128xi32, #tpu.memory_space<vmem>>
      %dma_wait3A_113 = tpu.memref_slice %arg2[%add3A_4] : memref<524288xi32, #tpu.memory_space<hbm>> -> memref<128xi32, #tpu.memory_space<hbm>>
      %dma_wait3A_114 = arith.constant 0 : i32
      %dma_wait3A_115 = tpu.memref_slice %arg5[%run_scoped3A, %dma_wait3A_114] : memref<4x128xi32, #tpu.memory_space<vmem>> -> memref<1x128xi32, #tpu.memory_space<vmem>>
      %dma_wait3A_116 = tpu.memref_squeeze %dma_wait3A_115 : memref<1x128xi32, #tpu.memory_space<vmem>> -> memref<128xi32, #tpu.memory_space<vmem>>
      %dma_wait3A_117 = tpu.memref_slice %arg2[%add3A_4] : memref<524288xi32, #tpu.memory_space<hbm>> -> memref<128xi32, #tpu.memory_space<hbm>>
      tpu.wait_dma2 semaphore(%run_scoped3A_101 : memref<!tpu.dma_semaphore, #tpu.memory_space<semaphore_mem>>) src(%dma_wait3A_117 : memref<128xi32, #tpu.memory_space<hbm>>) dst(%dma_wait3A_116 : memref<128xi32, #tpu.memory_space<vmem>>)
      tpu.yield
    }) : () -> ()
    %scan3A = arith.constant 0 : i32
    %scan3A_5 = arith.constant 0 : i32
    %scan3A_6 = arith.constant 8 : i32
    %scan3A_7 = arith.addi %scan3A_5, %scan3A_6 : i32
    %scan3A_8 = arith.constant 4 : i32
    scf.for %scan3A_101 = %scan3A_5 to %scan3A_7 step %scan3A_8  : i32 {
      %mul3A_102 = arith.constant 16 : i32
      %mul3A_103 = arith.muli %scan3A_101, %mul3A_102 : i32
      %get3A = arith.constant 0 : i32
      %get3A_104 = arith.index_cast %get3A : i32 to index
      %get3A_105 = arith.index_cast %mul3A_103 : i32 to index
      %get3A_106 = tpu.vector_load %arg5[%get3A_104, %get3A_105] {strides = array<i32>} : memref<4x128xi32, #tpu.memory_space<vmem>>, vector<16xi32>,
      %ge3A = arith.constant 512000 : i32
      %ge3A_107 = vector.broadcast %ge3A : i32 to vector<16xi32>
      %ge3A_108 = arith.cmpi sge, %get3A_106, %ge3A_107 : vector<16xi32>
      %jit3A = arith.constant 1 : i32
      %jit3A_109 = arith.constant 0 : i32
      %broadcast_in_dim3A = vector.broadcast %jit3A : i32 to vector<16xi32>
      %broadcast_in_dim3A_110 = vector.broadcast %jit3A_109 : i32 to vector<16xi32>
      %select_n3A = arith.select %ge3A_108, %broadcast_in_dim3A, %broadcast_in_dim3A_110 : vector<16xi1>, vector<16xi32>
      %mul3A_111 = arith.constant 512000 : i32
      %mul3A_112 = vector.broadcast %mul3A_111 : i32 to vector<16xi32>
      %mul3A_113 = arith.muli %select_n3A, %mul3A_112 : vector<16xi32>
      %sub3A = arith.subi %get3A_106, %mul3A_113 : vector<16xi32>
      %swap3A = arith.constant 0 : i32
      %swap3A_114 = arith.index_cast %swap3A : i32 to index
      %swap3A_115 = arith.index_cast %mul3A_103 : i32 to index
      %swap3A_116 = tpu.vector_load %arg5[%swap3A_114, %swap3A_115] {strides = array<i32>} : memref<4x128xi32, #tpu.memory_space<vmem>>, vector<16xi32>,
      tpu.vector_store %arg5[%swap3A_114, %swap3A_115], %sub3A {strides = array<i32>} : memref<4x128xi32, #tpu.memory_space<vmem>>, vector<16xi32>,
      %scan3A_117 = arith.constant 1 : i32
      %scan3A_118 = arith.addi %scan3A_101, %scan3A_117 : i32
      %mul3A_119 = arith.constant 16 : i32
      %mul3A_120 = arith.muli %scan3A_118, %mul3A_119 : i32
      %get3A_121 = arith.constant 0 : i32
      %get3A_122 = arith.index_cast %get3A_121 : i32 to index
      %get3A_123 = arith.index_cast %mul3A_120 : i32 to index
      %get3A_124 = tpu.vector_load %arg5[%get3A_122, %get3A_123] {strides = array<i32>} : memref<4x128xi32, #tpu.memory_space<vmem>>, vector<16xi32>,
      %ge3A_125 = arith.constant 512000 : i32
      %ge3A_126 = vector.broadcast %ge3A_125 : i32 to vector<16xi32>
      %ge3A_127 = arith.cmpi sge, %get3A_124, %ge3A_126 : vector<16xi32>
      %jit3A_128 = arith.constant 1 : i32
      %jit3A_129 = arith.constant 0 : i32
      %broadcast_in_dim3A_130 = vector.broadcast %jit3A_128 : i32 to vector<16xi32>
      %broadcast_in_dim3A_131 = vector.broadcast %jit3A_129 : i32 to vector<16xi32>
      %select_n3A_132 = arith.select %ge3A_127, %broadcast_in_dim3A_130, %broadcast_in_dim3A_131 : vector<16xi1>, vector<16xi32>
      %mul3A_133 = arith.constant 512000 : i32
      %mul3A_134 = vector.broadcast %mul3A_133 : i32 to vector<16xi32>
      %mul3A_135 = arith.muli %select_n3A_132, %mul3A_134 : vector<16xi32>
      %sub3A_136 = arith.subi %get3A_124, %mul3A_135 : vector<16xi32>
      %swap3A_137 = arith.constant 0 : i32
      %swap3A_138 = arith.index_cast %swap3A_137 : i32 to index
      %swap3A_139 = arith.index_cast %mul3A_120 : i32 to index
      %swap3A_140 = tpu.vector_load %arg5[%swap3A_138, %swap3A_139] {strides = array<i32>} : memref<4x128xi32, #tpu.memory_space<vmem>>, vector<16xi32>,
      tpu.vector_store %arg5[%swap3A_138, %swap3A_139], %sub3A_136 {strides = array<i32>} : memref<4x128xi32, #tpu.memory_space<vmem>>, vector<16xi32>,
      %scan3A_141 = arith.constant 2 : i32
      %scan3A_142 = arith.addi %scan3A_101, %scan3A_141 : i32
      %mul3A_143 = arith.constant 16 : i32
      %mul3A_144 = arith.muli %scan3A_142, %mul3A_143 : i32
      %get3A_145 = arith.constant 0 : i32
      %get3A_146 = arith.index_cast %get3A_145 : i32 to index
      %get3A_147 = arith.index_cast %mul3A_144 : i32 to index
      %get3A_148 = tpu.vector_load %arg5[%get3A_146, %get3A_147] {strides = array<i32>} : memref<4x128xi32, #tpu.memory_space<vmem>>, vector<16xi32>,
      %ge3A_149 = arith.constant 512000 : i32
      %ge3A_150 = vector.broadcast %ge3A_149 : i32 to vector<16xi32>
      %ge3A_151 = arith.cmpi sge, %get3A_148, %ge3A_150 : vector<16xi32>
      %jit3A_152 = arith.constant 1 : i32
      %jit3A_153 = arith.constant 0 : i32
      %broadcast_in_dim3A_154 = vector.broadcast %jit3A_152 : i32 to vector<16xi32>
      %broadcast_in_dim3A_155 = vector.broadcast %jit3A_153 : i32 to vector<16xi32>
      %select_n3A_156 = arith.select %ge3A_151, %broadcast_in_dim3A_154, %broadcast_in_dim3A_155 : vector<16xi1>, vector<16xi32>
      %mul3A_157 = arith.constant 512000 : i32
      %mul3A_158 = vector.broadcast %mul3A_157 : i32 to vector<16xi32>
      %mul3A_159 = arith.muli %select_n3A_156, %mul3A_158 : vector<16xi32>
      %sub3A_160 = arith.subi %get3A_148, %mul3A_159 : vector<16xi32>
      %swap3A_161 = arith.constant 0 : i32
      %swap3A_162 = arith.index_cast %swap3A_161 : i32 to index
      %swap3A_163 = arith.index_cast %mul3A_144 : i32 to index
      %swap3A_164 = tpu.vector_load %arg5[%swap3A_162, %swap3A_163] {strides = array<i32>} : memref<4x128xi32, #tpu.memory_space<vmem>>, vector<16xi32>,
      tpu.vector_store %arg5[%swap3A_162, %swap3A_163], %sub3A_160 {strides = array<i32>} : memref<4x128xi32, #tpu.memory_space<vmem>>, vector<16xi32>,
      %scan3A_165 = arith.constant 3 : i32
      %scan3A_166 = arith.addi %scan3A_101, %scan3A_165 : i32
      %mul3A_167 = arith.constant 16 : i32
      %mul3A_168 = arith.muli %scan3A_166, %mul3A_167 : i32
      %get3A_169 = arith.constant 0 : i32
      %get3A_170 = arith.index_cast %get3A_169 : i32 to index
      %get3A_171 = arith.index_cast %mul3A_168 : i32 to index
      %get3A_172 = tpu.vector_load %arg5[%get3A_170, %get3A_171] {strides = array<i32>} : memref<4x128xi32, #tpu.memory_space<vmem>>, vector<16xi32>,
      %ge3A_173 = arith.constant 512000 : i32
      %ge3A_174 = vector.broadcast %ge3A_173 : i32 to vector<16xi32>
      %ge3A_175 = arith.cmpi sge, %get3A_172, %ge3A_174 : vector<16xi32>
      %jit3A_176 = arith.constant 1 : i32
      %jit3A_177 = arith.constant 0 : i32
      %broadcast_in_dim3A_178 = vector.broadcast %jit3A_176 : i32 to vector<16xi32>
      %broadcast_in_dim3A_179 = vector.broadcast %jit3A_177 : i32 to vector<16xi32>
      %select_n3A_180 = arith.select %ge3A_175, %broadcast_in_dim3A_178, %broadcast_in_dim3A_179 : vector<16xi1>, vector<16xi32>
      %mul3A_181 = arith.constant 512000 : i32
      %mul3A_182 = vector.broadcast %mul3A_181 : i32 to vector<16xi32>
      %mul3A_183 = arith.muli %select_n3A_180, %mul3A_182 : vector<16xi32>
      %sub3A_184 = arith.subi %get3A_172, %mul3A_183 : vector<16xi32>
      %swap3A_185 = arith.constant 0 : i32
      %swap3A_186 = arith.index_cast %swap3A_185 : i32 to index
      %swap3A_187 = arith.index_cast %mul3A_168 : i32 to index
      %swap3A_188 = tpu.vector_load %arg5[%swap3A_186, %swap3A_187] {strides = array<i32>} : memref<4x128xi32, #tpu.memory_space<vmem>>, vector<16xi32>,
      tpu.vector_store %arg5[%swap3A_186, %swap3A_187], %sub3A_184 {strides = array<i32>} : memref<4x128xi32, #tpu.memory_space<vmem>>, vector<16xi32>,
    }
    %scan3A_9 = arith.constant 8 : i32
    %dma_start3A = arith.constant 0 : i32
    %dma_start3A_10 = arith.constant 0 : i32
    %dma_start3A_11 = arith.constant 0 : i32
    %dma_start3A_12 = arith.constant 0 : i32
    %dma_start3A_13 = arith.constant 0 : i32
    %dma_start3A_14 = tpu.memref_slice %arg6[%dma_start3A_10, %dma_start3A_12, %dma_start3A_13] : memref<4x128x128xf32, #tpu.memory_space<vmem>> -> memref<1x128x128xf32, #tpu.memory_space<vmem>>
    %dma_start3A_15 = tpu.memref_squeeze %dma_start3A_14 : memref<1x128x128xf32, #tpu.memory_space<vmem>> -> memref<128x128xf32, #tpu.memory_space<vmem>>
    %dma_start3A_16 = arith.constant 0 : i32
    %dma_start3A_17 = tpu.memref_slice %arg5[%dma_start3A, %dma_start3A_16] : memref<4x128xi32, #tpu.memory_space<vmem>> -> memref<1x128xi32, #tpu.memory_space<vmem>>
    %dma_start3A_18 = tpu.memref_squeeze %dma_start3A_17 : memref<1x128xi32, #tpu.memory_space<vmem>> -> memref<128xi32, #tpu.memory_space<vmem>>
    %dma_start3A_19 = arith.constant 0 : i32
    %dma_start3A_20 = arith.constant 0 : i32
    %dma_start3A_21 = tpu.memref_slice %arg3[%dma_start3A_19, %dma_start3A_20] : memref<512000x128xf32, #tpu.memory_space<hbm>> -> memref<512000x128xf32, #tpu.memory_space<hbm>>
    %dma_start3A_22 = tpu.memref_slice %arg7[%dma_start3A_11] : memref<4x!tpu.dma_semaphore, #tpu.memory_space<semaphore_mem>> -> memref<1x!tpu.dma_semaphore, #tpu.memory_space<semaphore_mem>>
    %dma_start3A_23 = tpu.memref_squeeze %dma_start3A_22 : memref<1x!tpu.dma_semaphore, #tpu.memory_space<semaphore_mem>> -> memref<!tpu.dma_semaphore, #tpu.memory_space<semaphore_mem>>
    tpu.enqueue_indirect_dma source(%dma_start3A_21 : memref<512000x128xf32, #tpu.memory_space<hbm>>) target(%dma_start3A_15 : memref<128x128xf32, #tpu.memory_space<vmem>>) offsets(%dma_start3A_18 : memref<128xi32, #tpu.memory_space<vmem>>) semaphore(%dma_start3A_23 : memref<!tpu.dma_semaphore, #tpu.memory_space<semaphore_mem>>)
    %scan3A_24 = arith.constant 0 : i32
    %scan3A_25 = arith.constant 0 : i32
    %scan3A_26 = arith.constant 32 : i32
    %scan3A_27 = arith.addi %scan3A_25, %scan3A_26 : i32
    %scan3A_28 = arith.constant 1 : i32
    scf.for %scan3A_101 = %scan3A_25 to %scan3A_27 step %scan3A_28  : i32 {
      %mul3A_102 = arith.constant 4 : i32
      %mul3A_103 = arith.muli %scan3A_101, %mul3A_102 : i32
      %add3A_104 = arith.constant 0 : i32
      %add3A_105 = arith.addi %mul3A_103, %add3A_104 : i32
      %add3A_106 = arith.constant 1 : i32
      %add3A_107 = arith.addi %add3A_105, %add3A_106 : i32
      %lt3A = arith.constant 128 : i32
      %lt3A_108 = arith.cmpi slt, %add3A_107, %lt3A : i32
      %ge3A = arith.constant 3 : i32
      %ge3A_109 = arith.cmpi sge, %add3A_105, %ge3A : i32
      %and3A = arith.andi %lt3A_108, %ge3A_109 : i1
      %convert_element_type3A = arith.extui %and3A : i1 to i32
      %cond3A = arith.constant 0 : i32
      %cond3A_110 = arith.cmpi ne, %convert_element_type3A, %cond3A : i32
      scf.if %cond3A_110 {
        %add3A_317 = arith.constant 1 : i32
        %add3A_318 = arith.addi %add3A_105, %add3A_317 : i32
        %sub3A = arith.constant 4 : i32
        %sub3A_319 = arith.subi %add3A_318, %sub3A : i32
        %mul3A_320 = arith.constant 128 : i32
        %mul3A_321 = arith.muli %sub3A_319, %mul3A_320 : i32
        %add3A_322 = arith.addi %mul3A_2, %mul3A_321 : i32
        %dma_wait3A_323 = arith.constant 1 : i32
        %dma_wait3A_324 = arith.constant 1 : i32
        %dma_wait3A_325 = arith.constant 0 : i32
        %dma_wait3A_326 = arith.constant 0 : i32
        %dma_wait3A_327 = tpu.memref_slice %arg6[%dma_wait3A_323, %dma_wait3A_325, %dma_wait3A_326] : memref<4x128x128xf32, #tpu.memory_space<vmem>> -> memref<1x128x128xf32, #tpu.memory_space<vmem>>
        %dma_wait3A_328 = tpu.memref_squeeze %dma_wait3A_327 : memref<1x128x128xf32, #tpu.memory_space<vmem>> -> memref<128x128xf32, #tpu.memory_space<vmem>>
        %dma_wait3A_329 = arith.constant 0 : i32
        %dma_wait3A_330 = tpu.memref_slice %arg4[%add3A_322, %dma_wait3A_329] : memref<524288x128xf32, #tpu.memory_space<hbm>> -> memref<128x128xf32, #tpu.memory_space<hbm>>
        %dma_wait3A_331 = tpu.memref_slice %arg8[%dma_wait3A_324] : memref<4x!tpu.dma_semaphore, #tpu.memory_space<semaphore_mem>> -> memref<1x!tpu.dma_semaphore, #tpu.memory_space<semaphore_mem>>
        %dma_wait3A_332 = tpu.memref_squeeze %dma_wait3A_331 : memref<1x!tpu.dma_semaphore, #tpu.memory_space<semaphore_mem>> -> memref<!tpu.dma_semaphore, #tpu.memory_space<semaphore_mem>>
        %dma_wait3A_333 = arith.constant 0 : i32
        %dma_wait3A_334 = tpu.memref_slice %arg4[%add3A_322, %dma_wait3A_333] : memref<524288x128xf32, #tpu.memory_space<hbm>> -> memref<128x128xf32, #tpu.memory_space<hbm>>
        %dma_wait3A_335 = arith.constant 0 : i32
        %dma_wait3A_336 = arith.constant 0 : i32
        %dma_wait3A_337 = tpu.memref_slice %arg6[%dma_wait3A_323, %dma_wait3A_335, %dma_wait3A_336] : memref<4x128x128xf32, #tpu.memory_space<vmem>> -> memref<1x128x128xf32, #tpu.memory_space<vmem>>
        %dma_wait3A_338 = tpu.memref_squeeze %dma_wait3A_337 : memref<1x128x128xf32, #tpu.memory_space<vmem>> -> memref<128x128xf32, #tpu.memory_space<vmem>>
        tpu.wait_dma2 semaphore(%dma_wait3A_332 : memref<!tpu.dma_semaphore, #tpu.memory_space<semaphore_mem>>) src(%dma_wait3A_338 : memref<128x128xf32, #tpu.memory_space<vmem>>) dst(%dma_wait3A_334 : memref<128x128xf32, #tpu.memory_space<hbm>>)
      } else {
      }
      %add3A_111 = arith.constant 1 : i32
      %add3A_112 = arith.addi %add3A_105, %add3A_111 : i32
      %lt3A_113 = arith.constant 128 : i32
      %lt3A_114 = arith.cmpi slt, %add3A_112, %lt3A_113 : i32
      %convert_element_type3A_115 = arith.extui %lt3A_114 : i1 to i32
      %cond3A_116 = arith.constant 0 : i32
      %cond3A_117 = arith.cmpi ne, %convert_element_type3A_115, %cond3A_116 : i32
      scf.if %cond3A_117 {
        %add3A_317 = arith.constant 1 : i32
        %add3A_318 = arith.addi %add3A_105, %add3A_317 : i32
        %mul3A_319 = arith.constant 128 : i32
        %mul3A_320 = arith.muli %add3A_318, %mul3A_319 : i32
        %add3A_321 = arith.addi %mul3A_2, %mul3A_320 : i32
        %run_scoped3A_322 = arith.constant 1 : i32
        "tpu.region"() ({
          %run_scoped3A_344 = tpu.sem_alloc : memref<!tpu.dma_semaphore, #tpu.memory_space<semaphore_mem>>
          %dma_start3A_345 = arith.constant 0 : i32
          %dma_start3A_346 = tpu.memref_slice %arg5[%run_scoped3A_322, %dma_start3A_345] : memref<4x128xi32, #tpu.memory_space<vmem>> -> memref<1x128xi32, #tpu.memory_space<vmem>>
          %dma_start3A_347 = tpu.memref_squeeze %dma_start3A_346 : memref<1x128xi32, #tpu.memory_space<vmem>> -> memref<128xi32, #tpu.memory_space<vmem>>
          %dma_start3A_348 = tpu.memref_slice %arg2[%add3A_321] : memref<524288xi32, #tpu.memory_space<hbm>> -> memref<128xi32, #tpu.memory_space<hbm>>
          %dma_start3A_349 = arith.constant 0 : i32
          %dma_start3A_350 = tpu.memref_slice %arg5[%run_scoped3A_322, %dma_start3A_349] : memref<4x128xi32, #tpu.memory_space<vmem>> -> memref<1x128xi32, #tpu.memory_space<vmem>>
          %dma_start3A_351 = tpu.memref_squeeze %dma_start3A_350 : memref<1x128xi32, #tpu.memory_space<vmem>> -> memref<128xi32, #tpu.memory_space<vmem>>
          %dma_start3A_352 = tpu.memref_slice %arg2[%add3A_321] : memref<524288xi32, #tpu.memory_space<hbm>> -> memref<128xi32, #tpu.memory_space<hbm>>
          tpu.enqueue_dma source(%dma_start3A_352 : memref<128xi32, #tpu.memory_space<hbm>>) target(%dma_start3A_351 : memref<128xi32, #tpu.memory_space<vmem>>) target_semaphore(%run_scoped3A_344 : memref<!tpu.dma_semaphore, #tpu.memory_space<semaphore_mem>>)
          %dma_wait3A_353 = arith.constant 0 : i32
          %dma_wait3A_354 = tpu.memref_slice %arg5[%run_scoped3A_322, %dma_wait3A_353] : memref<4x128xi32, #tpu.memory_space<vmem>> -> memref<1x128xi32, #tpu.memory_space<vmem>>
          %dma_wait3A_355 = tpu.memref_squeeze %dma_wait3A_354 : memref<1x128xi32, #tpu.memory_space<vmem>> -> memref<128xi32, #tpu.memory_space<vmem>>
          %dma_wait3A_356 = tpu.memref_slice %arg2[%add3A_321] : memref<524288xi32, #tpu.memory_space<hbm>> -> memref<128xi32, #tpu.memory_space<hbm>>
          %dma_wait3A_357 = arith.constant 0 : i32
          %dma_wait3A_358 = tpu.memref_slice %arg5[%run_scoped3A_322, %dma_wait3A_357] : memref<4x128xi32, #tpu.memory_space<vmem>> -> memref<1x128xi32, #tpu.memory_space<vmem>>
          %dma_wait3A_359 = tpu.memref_squeeze %dma_wait3A_358 : memref<1x128xi32, #tpu.memory_space<vmem>> -> memref<128xi32, #tpu.memory_space<vmem>>
          %dma_wait3A_360 = tpu.memref_slice %arg2[%add3A_321] : memref<524288xi32, #tpu.memory_space<hbm>> -> memref<128xi32, #tpu.memory_space<hbm>>
          tpu.wait_dma2 semaphore(%run_scoped3A_344 : memref<!tpu.dma_semaphore, #tpu.memory_space<semaphore_mem>>) src(%dma_wait3A_360 : memref<128xi32, #tpu.memory_space<hbm>>) dst(%dma_wait3A_359 : memref<128xi32, #tpu.memory_space<vmem>>)
          tpu.yield
        }) : () -> ()
        %scan3A_323 = arith.constant 0 : i32
        %scan3A_324 = arith.constant 0 : i32
        %scan3A_325 = arith.constant 8 : i32
        %scan3A_326 = arith.addi %scan3A_324, %scan3A_325 : i32
        %scan3A_327 = arith.constant 4 : i32
        scf.for %scan3A_344 = %scan3A_324 to %scan3A_326 step %scan3A_327  : i32 {
          %mul3A_345 = arith.constant 16 : i32
          %mul3A_346 = arith.muli %scan3A_344, %mul3A_345 : i32
          %get3A = arith.constant 1 : i32
          %get3A_347 = arith.index_cast %get3A : i32 to index
          %get3A_348 = arith.index_cast %mul3A_346 : i32 to index
          %get3A_349 = tpu.vector_load %arg5[%get3A_347, %get3A_348] {strides = array<i32>} : memref<4x128xi32, #tpu.memory_space<vmem>>, vector<16xi32>,
          %ge3A_350 = arith.constant 512000 : i32
          %ge3A_351 = vector.broadcast %ge3A_350 : i32 to vector<16xi32>
          %ge3A_352 = arith.cmpi sge, %get3A_349, %ge3A_351 : vector<16xi32>
          %jit3A = arith.constant 1 : i32
          %jit3A_353 = arith.constant 0 : i32
          %broadcast_in_dim3A = vector.broadcast %jit3A : i32 to vector<16xi32>
          %broadcast_in_dim3A_354 = vector.broadcast %jit3A_353 : i32 to vector<16xi32>
          %select_n3A = arith.select %ge3A_352, %broadcast_in_dim3A, %broadcast_in_dim3A_354 : vector<16xi1>, vector<16xi32>
          %mul3A_355 = arith.constant 512000 : i32
          %mul3A_356 = vector.broadcast %mul3A_355 : i32 to vector<16xi32>
          %mul3A_357 = arith.muli %select_n3A, %mul3A_356 : vector<16xi32>
          %sub3A = arith.subi %get3A_349, %mul3A_357 : vector<16xi32>
          %swap3A = arith.constant 1 : i32
          %swap3A_358 = arith.index_cast %swap3A : i32 to index
          %swap3A_359 = arith.index_cast %mul3A_346 : i32 to index
          %swap3A_360 = tpu.vector_load %arg5[%swap3A_358, %swap3A_359] {strides = array<i32>} : memref<4x128xi32, #tpu.memory_space<vmem>>, vector<16xi32>,
          tpu.vector_store %arg5[%swap3A_358, %swap3A_359], %sub3A {strides = array<i32>} : memref<4x128xi32, #tpu.memory_space<vmem>>, vector<16xi32>,
          %scan3A_361 = arith.constant 1 : i32
          %scan3A_362 = arith.addi %scan3A_344, %scan3A_361 : i32
          %mul3A_363 = arith.constant 16 : i32
          %mul3A_364 = arith.muli %scan3A_362, %mul3A_363 : i32
          %get3A_365 = arith.constant 1 : i32
          %get3A_366 = arith.index_cast %get3A_365 : i32 to index
          %get3A_367 = arith.index_cast %mul3A_364 : i32 to index
          %get3A_368 = tpu.vector_load %arg5[%get3A_366, %get3A_367] {strides = array<i32>} : memref<4x128xi32, #tpu.memory_space<vmem>>, vector<16xi32>,
          %ge3A_369 = arith.constant 512000 : i32
          %ge3A_370 = vector.broadcast %ge3A_369 : i32 to vector<16xi32>
          %ge3A_371 = arith.cmpi sge, %get3A_368, %ge3A_370 : vector<16xi32>
          %jit3A_372 = arith.constant 1 : i32
          %jit3A_373 = arith.constant 0 : i32
          %broadcast_in_dim3A_374 = vector.broadcast %jit3A_372 : i32 to vector<16xi32>
          %broadcast_in_dim3A_375 = vector.broadcast %jit3A_373 : i32 to vector<16xi32>
          %select_n3A_376 = arith.select %ge3A_371, %broadcast_in_dim3A_374, %broadcast_in_dim3A_375 : vector<16xi1>, vector<16xi32>
          %mul3A_377 = arith.constant 512000 : i32
          %mul3A_378 = vector.broadcast %mul3A_377 : i32 to vector<16xi32>
          %mul3A_379 = arith.muli %select_n3A_376, %mul3A_378 : vector<16xi32>
          %sub3A_380 = arith.subi %get3A_368, %mul3A_379 : vector<16xi32>
          %swap3A_381 = arith.constant 1 : i32
          %swap3A_382 = arith.index_cast %swap3A_381 : i32 to index
          %swap3A_383 = arith.index_cast %mul3A_364 : i32 to index
          %swap3A_384 = tpu.vector_load %arg5[%swap3A_382, %swap3A_383] {strides = array<i32>} : memref<4x128xi32, #tpu.memory_space<vmem>>, vector<16xi32>,
          tpu.vector_store %arg5[%swap3A_382, %swap3A_383], %sub3A_380 {strides = array<i32>} : memref<4x128xi32, #tpu.memory_space<vmem>>, vector<16xi32>,
          %scan3A_385 = arith.constant 2 : i32
          %scan3A_386 = arith.addi %scan3A_344, %scan3A_385 : i32
          %mul3A_387 = arith.constant 16 : i32
          %mul3A_388 = arith.muli %scan3A_386, %mul3A_387 : i32
          %get3A_389 = arith.constant 1 : i32
          %get3A_390 = arith.index_cast %get3A_389 : i32 to index
          %get3A_391 = arith.index_cast %mul3A_388 : i32 to index
          %get3A_392 = tpu.vector_load %arg5[%get3A_390, %get3A_391] {strides = array<i32>} : memref<4x128xi32, #tpu.memory_space<vmem>>, vector<16xi32>,
          %ge3A_393 = arith.constant 512000 : i32
          %ge3A_394 = vector.broadcast %ge3A_393 : i32 to vector<16xi32>
          %ge3A_395 = arith.cmpi sge, %get3A_392, %ge3A_394 : vector<16xi32>
          %jit3A_396 = arith.constant 1 : i32
          %jit3A_397 = arith.constant 0 : i32
          %broadcast_in_dim3A_398 = vector.broadcast %jit3A_396 : i32 to vector<16xi32>
          %broadcast_in_dim3A_399 = vector.broadcast %jit3A_397 : i32 to vector<16xi32>
          %select_n3A_400 = arith.select %ge3A_395, %broadcast_in_dim3A_398, %broadcast_in_dim3A_399 : vector<16xi1>, vector<16xi32>
          %mul3A_401 = arith.constant 512000 : i32
          %mul3A_402 = vector.broadcast %mul3A_401 : i32 to vector<16xi32>
          %mul3A_403 = arith.muli %select_n3A_400, %mul3A_402 : vector<16xi32>
          %sub3A_404 = arith.subi %get3A_392, %mul3A_403 : vector<16xi32>
          %swap3A_405 = arith.constant 1 : i32
          %swap3A_406 = arith.index_cast %swap3A_405 : i32 to index
          %swap3A_407 = arith.index_cast %mul3A_388 : i32 to index
          %swap3A_408 = tpu.vector_load %arg5[%swap3A_406, %swap3A_407] {strides = array<i32>} : memref<4x128xi32, #tpu.memory_space<vmem>>, vector<16xi32>,
          tpu.vector_store %arg5[%swap3A_406, %swap3A_407], %sub3A_404 {strides = array<i32>} : memref<4x128xi32, #tpu.memory_space<vmem>>, vector<16xi32>,
          %scan3A_409 = arith.constant 3 : i32
          %scan3A_410 = arith.addi %scan3A_344, %scan3A_409 : i32
          %mul3A_411 = arith.constant 16 : i32
          %mul3A_412 = arith.muli %scan3A_410, %mul3A_411 : i32
          %get3A_413 = arith.constant 1 : i32
          %get3A_414 = arith.index_cast %get3A_413 : i32 to index
          %get3A_415 = arith.index_cast %mul3A_412 : i32 to index
          %get3A_416 = tpu.vector_load %arg5[%get3A_414, %get3A_415] {strides = array<i32>} : memref<4x128xi32, #tpu.memory_space<vmem>>, vector<16xi32>,
          %ge3A_417 = arith.constant 512000 : i32
          %ge3A_418 = vector.broadcast %ge3A_417 : i32 to vector<16xi32>
          %ge3A_419 = arith.cmpi sge, %get3A_416, %ge3A_418 : vector<16xi32>
          %jit3A_420 = arith.constant 1 : i32
          %jit3A_421 = arith.constant 0 : i32
          %broadcast_in_dim3A_422 = vector.broadcast %jit3A_420 : i32 to vector<16xi32>
          %broadcast_in_dim3A_423 = vector.broadcast %jit3A_421 : i32 to vector<16xi32>
          %select_n3A_424 = arith.select %ge3A_419, %broadcast_in_dim3A_422, %broadcast_in_dim3A_423 : vector<16xi1>, vector<16xi32>
          %mul3A_425 = arith.constant 512000 : i32
          %mul3A_426 = vector.broadcast %mul3A_425 : i32 to vector<16xi32>
          %mul3A_427 = arith.muli %select_n3A_424, %mul3A_426 : vector<16xi32>
          %sub3A_428 = arith.subi %get3A_416, %mul3A_427 : vector<16xi32>
          %swap3A_429 = arith.constant 1 : i32
          %swap3A_430 = arith.index_cast %swap3A_429 : i32 to index
          %swap3A_431 = arith.index_cast %mul3A_412 : i32 to index
          %swap3A_432 = tpu.vector_load %arg5[%swap3A_430, %swap3A_431] {strides = array<i32>} : memref<4x128xi32, #tpu.memory_space<vmem>>, vector<16xi32>,
          tpu.vector_store %arg5[%swap3A_430, %swap3A_431], %sub3A_428 {strides = array<i32>} : memref<4x128xi32, #tpu.memory_space<vmem>>, vector<16xi32>,
        }
        %scan3A_328 = arith.constant 8 : i32
        %dma_start3A_329 = arith.constant 1 : i32
        %dma_start3A_330 = arith.constant 1 : i32
        %dma_start3A_331 = arith.constant 1 : i32
        %dma_start3A_332 = arith.constant 0 : i32
        %dma_start3A_333 = arith.constant 0 : i32
        %dma_start3A_334 = tpu.memref_slice %arg6[%dma_start3A_330, %dma_start3A_332, %dma_start3A_333] : memref<4x128x128xf32, #tpu.memory_space<vmem>> -> memref<1x128x128xf32, #tpu.memory_space<vmem>>
        %dma_start3A_335 = tpu.memref_squeeze %dma_start3A_334 : memref<1x128x128xf32, #tpu.memory_space<vmem>> -> memref<128x128xf32, #tpu.memory_space<vmem>>
        %dma_start3A_336 = arith.constant 0 : i32
        %dma_start3A_337 = tpu.memref_slice %arg5[%dma_start3A_329, %dma_start3A_336] : memref<4x128xi32, #tpu.memory_space<vmem>> -> memref<1x128xi32, #tpu.memory_space<vmem>>
        %dma_start3A_338 = tpu.memref_squeeze %dma_start3A_337 : memref<1x128xi32, #tpu.memory_space<vmem>> -> memref<128xi32, #tpu.memory_space<vmem>>
        %dma_start3A_339 = arith.constant 0 : i32
        %dma_start3A_340 = arith.constant 0 : i32
        %dma_start3A_341 = tpu.memref_slice %arg3[%dma_start3A_339, %dma_start3A_340] : memref<512000x128xf32, #tpu.memory_space<hbm>> -> memref<512000x128xf32, #tpu.memory_space<hbm>>
        %dma_start3A_342 = tpu.memref_slice %arg7[%dma_start3A_331] : memref<4x!tpu.dma_semaphore, #tpu.memory_space<semaphore_mem>> -> memref<1x!tpu.dma_semaphore, #tpu.memory_space<semaphore_mem>>
        %dma_start3A_343 = tpu.memref_squeeze %dma_start3A_342 : memref<1x!tpu.dma_semaphore, #tpu.memory_space<semaphore_mem>> -> memref<!tpu.dma_semaphore, #tpu.memory_space<semaphore_mem>>
        tpu.enqueue_indirect_dma source(%dma_start3A_341 : memref<512000x128xf32, #tpu.memory_space<hbm>>) target(%dma_start3A_335 : memref<128x128xf32, #tpu.memory_space<vmem>>) offsets(%dma_start3A_338 : memref<128xi32, #tpu.memory_space<vmem>>) semaphore(%dma_start3A_343 : memref<!tpu.dma_semaphore, #tpu.memory_space<semaphore_mem>>)
      } else {
      }
      %dma_wait3A_118 = arith.constant 0 : i32
      %dma_wait3A_119 = arith.constant 0 : i32
      %dma_wait3A_120 = arith.constant 0 : i32
      %dma_wait3A_121 = arith.constant 0 : i32
      %dma_wait3A_122 = arith.constant 0 : i32
      %dma_wait3A_123 = tpu.memref_slice %arg6[%dma_wait3A_119, %dma_wait3A_121, %dma_wait3A_122] : memref<4x128x128xf32, #tpu.memory_space<vmem>> -> memref<1x128x128xf32, #tpu.memory_space<vmem>>
      %dma_wait3A_124 = tpu.memref_squeeze %dma_wait3A_123 : memref<1x128x128xf32, #tpu.memory_space<vmem>> -> memref<128x128xf32, #tpu.memory_space<vmem>>
      %dma_wait3A_125 = arith.constant 0 : i32
      %dma_wait3A_126 = tpu.memref_slice %arg5[%dma_wait3A_118, %dma_wait3A_125] : memref<4x128xi32, #tpu.memory_space<vmem>> -> memref<1x128xi32, #tpu.memory_space<vmem>>
      %dma_wait3A_127 = tpu.memref_squeeze %dma_wait3A_126 : memref<1x128xi32, #tpu.memory_space<vmem>> -> memref<128xi32, #tpu.memory_space<vmem>>
      %dma_wait3A_128 = arith.constant 0 : i32
      %dma_wait3A_129 = arith.constant 0 : i32
      %dma_wait3A_130 = tpu.memref_slice %arg3[%dma_wait3A_128, %dma_wait3A_129] : memref<512000x128xf32, #tpu.memory_space<hbm>> -> memref<512000x128xf32, #tpu.memory_space<hbm>>
      %dma_wait3A_131 = tpu.memref_slice %arg7[%dma_wait3A_120] : memref<4x!tpu.dma_semaphore, #tpu.memory_space<semaphore_mem>> -> memref<1x!tpu.dma_semaphore, #tpu.memory_space<semaphore_mem>>
      %dma_wait3A_132 = tpu.memref_squeeze %dma_wait3A_131 : memref<1x!tpu.dma_semaphore, #tpu.memory_space<semaphore_mem>> -> memref<!tpu.dma_semaphore, #tpu.memory_space<semaphore_mem>>
      tpu.wait_indirect_dma semaphore(%dma_wait3A_132 : memref<!tpu.dma_semaphore, #tpu.memory_space<semaphore_mem>>) src(%dma_wait3A_130 : memref<512000x128xf32, #tpu.memory_space<hbm>>) dst(%dma_wait3A_124 : memref<128x128xf32, #tpu.memory_space<vmem>>)
      %mul3A_133 = arith.constant 128 : i32
      %mul3A_134 = arith.muli %add3A_105, %mul3A_133 : i32
      %add3A_135 = arith.addi %mul3A_2, %mul3A_134 : i32
      %dma_start3A_136 = arith.constant 0 : i32
      %dma_start3A_137 = arith.constant 0 : i32
      %dma_start3A_138 = arith.constant 0 : i32
      %dma_start3A_139 = arith.constant 0 : i32
      %dma_start3A_140 = tpu.memref_slice %arg6[%dma_start3A_136, %dma_start3A_138, %dma_start3A_139] : memref<4x128x128xf32, #tpu.memory_space<vmem>> -> memref<1x128x128xf32, #tpu.memory_space<vmem>>
      %dma_start3A_141 = tpu.memref_squeeze %dma_start3A_140 : memref<1x128x128xf32, #tpu.memory_space<vmem>> -> memref<128x128xf32, #tpu.memory_space<vmem>>
      %dma_start3A_142 = arith.constant 0 : i32
      %dma_start3A_143 = tpu.memref_slice %arg4[%add3A_135, %dma_start3A_142] : memref<524288x128xf32, #tpu.memory_space<hbm>> -> memref<128x128xf32, #tpu.memory_space<hbm>>
      %dma_start3A_144 = tpu.memref_slice %arg8[%dma_start3A_137] : memref<4x!tpu.dma_semaphore, #tpu.memory_space<semaphore_mem>> -> memref<1x!tpu.dma_semaphore, #tpu.memory_space<semaphore_mem>>
      %dma_start3A_145 = tpu.memref_squeeze %dma_start3A_144 : memref<1x!tpu.dma_semaphore, #tpu.memory_space<semaphore_mem>> -> memref<!tpu.dma_semaphore, #tpu.memory_space<semaphore_mem>>
      %dma_start3A_146 = arith.constant 0 : i32
      %dma_start3A_147 = tpu.memref_slice %arg4[%add3A_135, %dma_start3A_146] : memref<524288x128xf32, #tpu.memory_space<hbm>> -> memref<128x128xf32, #tpu.memory_space<hbm>>
      %dma_start3A_148 = arith.constant 0 : i32
      %dma_start3A_149 = arith.constant 0 : i32
      %dma_start3A_150 = tpu.memref_slice %arg6[%dma_start3A_136, %dma_start3A_148, %dma_start3A_149] : memref<4x128x128xf32, #tpu.memory_space<vmem>> -> memref<1x128x128xf32, #tpu.memory_space<vmem>>
      %dma_start3A_151 = tpu.memref_squeeze %dma_start3A_150 : memref<1x128x128xf32, #tpu.memory_space<vmem>> -> memref<128x128xf32, #tpu.memory_space<vmem>>
      tpu.enqueue_dma source(%dma_start3A_151 : memref<128x128xf32, #tpu.memory_space<vmem>>) target(%dma_start3A_147 : memref<128x128xf32, #tpu.memory_space<hbm>>) target_semaphore(%dma_start3A_145 : memref<!tpu.dma_semaphore, #tpu.memory_space<semaphore_mem>>)
      %mul3A_152 = arith.constant 4 : i32
      %mul3A_153 = arith.muli %scan3A_101, %mul3A_152 : i32
      %add3A_154 = arith.constant 1 : i32
      %add3A_155 = arith.addi %mul3A_153, %add3A_154 : i32
      %add3A_156 = arith.constant 1 : i32
      %add3A_157 = arith.addi %add3A_155, %add3A_156 : i32
      %lt3A_158 = arith.constant 128 : i32
      %lt3A_159 = arith.cmpi slt, %add3A_157, %lt3A_158 : i32
      %ge3A_160 = arith.constant 3 : i32
      %ge3A_161 = arith.cmpi sge, %add3A_155, %ge3A_160 : i32
      %and3A_162 = arith.andi %lt3A_159, %ge3A_161 : i1
      %convert_element_type3A_163 = arith.extui %and3A_162 : i1 to i32
      %cond3A_164 = arith.constant 0 : i32
      %cond3A_165 = arith.cmpi ne, %convert_element_type3A_163, %cond3A_164 : i32
      scf.if %cond3A_165 {
        %add3A_317 = arith.constant 1 : i32
        %add3A_318 = arith.addi %add3A_155, %add3A_317 : i32
        %sub3A = arith.constant 4 : i32
        %sub3A_319 = arith.subi %add3A_318, %sub3A : i32
        %mul3A_320 = arith.constant 128 : i32
        %mul3A_321 = arith.muli %sub3A_319, %mul3A_320 : i32
        %add3A_322 = arith.addi %mul3A_2, %mul3A_321 : i32
        %dma_wait3A_323 = arith.constant 2 : i32
        %dma_wait3A_324 = arith.constant 2 : i32
        %dma_wait3A_325 = arith.constant 0 : i32
        %dma_wait3A_326 = arith.constant 0 : i32
        %dma_wait3A_327 = tpu.memref_slice %arg6[%dma_wait3A_323, %dma_wait3A_325, %dma_wait3A_326] : memref<4x128x128xf32, #tpu.memory_space<vmem>> -> memref<1x128x128xf32, #tpu.memory_space<vmem>>
        %dma_wait3A_328 = tpu.memref_squeeze %dma_wait3A_327 : memref<1x128x128xf32, #tpu.memory_space<vmem>> -> memref<128x128xf32, #tpu.memory_space<vmem>>
        %dma_wait3A_329 = arith.constant 0 : i32
        %dma_wait3A_330 = tpu.memref_slice %arg4[%add3A_322, %dma_wait3A_329] : memref<524288x128xf32, #tpu.memory_space<hbm>> -> memref<128x128xf32, #tpu.memory_space<hbm>>
        %dma_wait3A_331 = tpu.memref_slice %arg8[%dma_wait3A_324] : memref<4x!tpu.dma_semaphore, #tpu.memory_space<semaphore_mem>> -> memref<1x!tpu.dma_semaphore, #tpu.memory_space<semaphore_mem>>
        %dma_wait3A_332 = tpu.memref_squeeze %dma_wait3A_331 : memref<1x!tpu.dma_semaphore, #tpu.memory_space<semaphore_mem>> -> memref<!tpu.dma_semaphore, #tpu.memory_space<semaphore_mem>>
        %dma_wait3A_333 = arith.constant 0 : i32
        %dma_wait3A_334 = tpu.memref_slice %arg4[%add3A_322, %dma_wait3A_333] : memref<524288x128xf32, #tpu.memory_space<hbm>> -> memref<128x128xf32, #tpu.memory_space<hbm>>
        %dma_wait3A_335 = arith.constant 0 : i32
        %dma_wait3A_336 = arith.constant 0 : i32
        %dma_wait3A_337 = tpu.memref_slice %arg6[%dma_wait3A_323, %dma_wait3A_335, %dma_wait3A_336] : memref<4x128x128xf32, #tpu.memory_space<vmem>> -> memref<1x128x128xf32, #tpu.memory_space<vmem>>
        %dma_wait3A_338 = tpu.memref_squeeze %dma_wait3A_337 : memref<1x128x128xf32, #tpu.memory_space<vmem>> -> memref<128x128xf32, #tpu.memory_space<vmem>>
        tpu.wait_dma2 semaphore(%dma_wait3A_332 : memref<!tpu.dma_semaphore, #tpu.memory_space<semaphore_mem>>) src(%dma_wait3A_338 : memref<128x128xf32, #tpu.memory_space<vmem>>) dst(%dma_wait3A_334 : memref<128x128xf32, #tpu.memory_space<hbm>>)
      } else {
      }
      %add3A_166 = arith.constant 1 : i32
      %add3A_167 = arith.addi %add3A_155, %add3A_166 : i32
      %lt3A_168 = arith.constant 128 : i32
      %lt3A_169 = arith.cmpi slt, %add3A_167, %lt3A_168 : i32
      %convert_element_type3A_170 = arith.extui %lt3A_169 : i1 to i32
      %cond3A_171 = arith.constant 0 : i32
      %cond3A_172 = arith.cmpi ne, %convert_element_type3A_170, %cond3A_171 : i32
      scf.if %cond3A_172 {
        %add3A_317 = arith.constant 1 : i32
        %add3A_318 = arith.addi %add3A_155, %add3A_317 : i32
        %mul3A_319 = arith.constant 128 : i32
        %mul3A_320 = arith.muli %add3A_318, %mul3A_319 : i32
        %add3A_321 = arith.addi %mul3A_2, %mul3A_320 : i32
        %run_scoped3A_322 = arith.constant 2 : i32
        "tpu.region"() ({
          %run_scoped3A_344 = tpu.sem_alloc : memref<!tpu.dma_semaphore, #tpu.memory_space<semaphore_mem>>
          %dma_start3A_345 = arith.constant 0 : i32
          %dma_start3A_346 = tpu.memref_slice %arg5[%run_scoped3A_322, %dma_start3A_345] : memref<4x128xi32, #tpu.memory_space<vmem>> -> memref<1x128xi32, #tpu.memory_space<vmem>>
          %dma_start3A_347 = tpu.memref_squeeze %dma_start3A_346 : memref<1x128xi32, #tpu.memory_space<vmem>> -> memref<128xi32, #tpu.memory_space<vmem>>
          %dma_start3A_348 = tpu.memref_slice %arg2[%add3A_321] : memref<524288xi32, #tpu.memory_space<hbm>> -> memref<128xi32, #tpu.memory_space<hbm>>
          %dma_start3A_349 = arith.constant 0 : i32
          %dma_start3A_350 = tpu.memref_slice %arg5[%run_scoped3A_322, %dma_start3A_349] : memref<4x128xi32, #tpu.memory_space<vmem>> -> memref<1x128xi32, #tpu.memory_space<vmem>>
          %dma_start3A_351 = tpu.memref_squeeze %dma_start3A_350 : memref<1x128xi32, #tpu.memory_space<vmem>> -> memref<128xi32, #tpu.memory_space<vmem>>
          %dma_start3A_352 = tpu.memref_slice %arg2[%add3A_321] : memref<524288xi32, #tpu.memory_space<hbm>> -> memref<128xi32, #tpu.memory_space<hbm>>
          tpu.enqueue_dma source(%dma_start3A_352 : memref<128xi32, #tpu.memory_space<hbm>>) target(%dma_start3A_351 : memref<128xi32, #tpu.memory_space<vmem>>) target_semaphore(%run_scoped3A_344 : memref<!tpu.dma_semaphore, #tpu.memory_space<semaphore_mem>>)
          %dma_wait3A_353 = arith.constant 0 : i32
          %dma_wait3A_354 = tpu.memref_slice %arg5[%run_scoped3A_322, %dma_wait3A_353] : memref<4x128xi32, #tpu.memory_space<vmem>> -> memref<1x128xi32, #tpu.memory_space<vmem>>
          %dma_wait3A_355 = tpu.memref_squeeze %dma_wait3A_354 : memref<1x128xi32, #tpu.memory_space<vmem>> -> memref<128xi32, #tpu.memory_space<vmem>>
          %dma_wait3A_356 = tpu.memref_slice %arg2[%add3A_321] : memref<524288xi32, #tpu.memory_space<hbm>> -> memref<128xi32, #tpu.memory_space<hbm>>
          %dma_wait3A_357 = arith.constant 0 : i32
          %dma_wait3A_358 = tpu.memref_slice %arg5[%run_scoped3A_322, %dma_wait3A_357] : memref<4x128xi32, #tpu.memory_space<vmem>> -> memref<1x128xi32, #tpu.memory_space<vmem>>
          %dma_wait3A_359 = tpu.memref_squeeze %dma_wait3A_358 : memref<1x128xi32, #tpu.memory_space<vmem>> -> memref<128xi32, #tpu.memory_space<vmem>>
          %dma_wait3A_360 = tpu.memref_slice %arg2[%add3A_321] : memref<524288xi32, #tpu.memory_space<hbm>> -> memref<128xi32, #tpu.memory_space<hbm>>
          tpu.wait_dma2 semaphore(%run_scoped3A_344 : memref<!tpu.dma_semaphore, #tpu.memory_space<semaphore_mem>>) src(%dma_wait3A_360 : memref<128xi32, #tpu.memory_space<hbm>>) dst(%dma_wait3A_359 : memref<128xi32, #tpu.memory_space<vmem>>)
          tpu.yield
        }) : () -> ()
        %scan3A_323 = arith.constant 0 : i32
        %scan3A_324 = arith.constant 0 : i32
        %scan3A_325 = arith.constant 8 : i32
        %scan3A_326 = arith.addi %scan3A_324, %scan3A_325 : i32
        %scan3A_327 = arith.constant 4 : i32
        scf.for %scan3A_344 = %scan3A_324 to %scan3A_326 step %scan3A_327  : i32 {
          %mul3A_345 = arith.constant 16 : i32
          %mul3A_346 = arith.muli %scan3A_344, %mul3A_345 : i32
          %get3A = arith.constant 2 : i32
          %get3A_347 = arith.index_cast %get3A : i32 to index
          %get3A_348 = arith.index_cast %mul3A_346 : i32 to index
          %get3A_349 = tpu.vector_load %arg5[%get3A_347, %get3A_348] {strides = array<i32>} : memref<4x128xi32, #tpu.memory_space<vmem>>, vector<16xi32>,
          %ge3A_350 = arith.constant 512000 : i32
          %ge3A_351 = vector.broadcast %ge3A_350 : i32 to vector<16xi32>
          %ge3A_352 = arith.cmpi sge, %get3A_349, %ge3A_351 : vector<16xi32>
          %jit3A = arith.constant 1 : i32
          %jit3A_353 = arith.constant 0 : i32
          %broadcast_in_dim3A = vector.broadcast %jit3A : i32 to vector<16xi32>
          %broadcast_in_dim3A_354 = vector.broadcast %jit3A_353 : i32 to vector<16xi32>
          %select_n3A = arith.select %ge3A_352, %broadcast_in_dim3A, %broadcast_in_dim3A_354 : vector<16xi1>, vector<16xi32>
          %mul3A_355 = arith.constant 512000 : i32
          %mul3A_356 = vector.broadcast %mul3A_355 : i32 to vector<16xi32>
          %mul3A_357 = arith.muli %select_n3A, %mul3A_356 : vector<16xi32>
          %sub3A = arith.subi %get3A_349, %mul3A_357 : vector<16xi32>
          %swap3A = arith.constant 2 : i32
          %swap3A_358 = arith.index_cast %swap3A : i32 to index
          %swap3A_359 = arith.index_cast %mul3A_346 : i32 to index
          %swap3A_360 = tpu.vector_load %arg5[%swap3A_358, %swap3A_359] {strides = array<i32>} : memref<4x128xi32, #tpu.memory_space<vmem>>, vector<16xi32>,
          tpu.vector_store %arg5[%swap3A_358, %swap3A_359], %sub3A {strides = array<i32>} : memref<4x128xi32, #tpu.memory_space<vmem>>, vector<16xi32>,
          %scan3A_361 = arith.constant 1 : i32
          %scan3A_362 = arith.addi %scan3A_344, %scan3A_361 : i32
          %mul3A_363 = arith.constant 16 : i32
          %mul3A_364 = arith.muli %scan3A_362, %mul3A_363 : i32
          %get3A_365 = arith.constant 2 : i32
          %get3A_366 = arith.index_cast %get3A_365 : i32 to index
          %get3A_367 = arith.index_cast %mul3A_364 : i32 to index
          %get3A_368 = tpu.vector_load %arg5[%get3A_366, %get3A_367] {strides = array<i32>} : memref<4x128xi32, #tpu.memory_space<vmem>>, vector<16xi32>,
          %ge3A_369 = arith.constant 512000 : i32
          %ge3A_370 = vector.broadcast %ge3A_369 : i32 to vector<16xi32>
          %ge3A_371 = arith.cmpi sge, %get3A_368, %ge3A_370 : vector<16xi32>
          %jit3A_372 = arith.constant 1 : i32
          %jit3A_373 = arith.constant 0 : i32
          %broadcast_in_dim3A_374 = vector.broadcast %jit3A_372 : i32 to vector<16xi32>
          %broadcast_in_dim3A_375 = vector.broadcast %jit3A_373 : i32 to vector<16xi32>
          %select_n3A_376 = arith.select %ge3A_371, %broadcast_in_dim3A_374, %broadcast_in_dim3A_375 : vector<16xi1>, vector<16xi32>
          %mul3A_377 = arith.constant 512000 : i32
          %mul3A_378 = vector.broadcast %mul3A_377 : i32 to vector<16xi32>
          %mul3A_379 = arith.muli %select_n3A_376, %mul3A_378 : vector<16xi32>
          %sub3A_380 = arith.subi %get3A_368, %mul3A_379 : vector<16xi32>
          %swap3A_381 = arith.constant 2 : i32
          %swap3A_382 = arith.index_cast %swap3A_381 : i32 to index
          %swap3A_383 = arith.index_cast %mul3A_364 : i32 to index
          %swap3A_384 = tpu.vector_load %arg5[%swap3A_382, %swap3A_383] {strides = array<i32>} : memref<4x128xi32, #tpu.memory_space<vmem>>, vector<16xi32>,
          tpu.vector_store %arg5[%swap3A_382, %swap3A_383], %sub3A_380 {strides = array<i32>} : memref<4x128xi32, #tpu.memory_space<vmem>>, vector<16xi32>,
          %scan3A_385 = arith.constant 2 : i32
          %scan3A_386 = arith.addi %scan3A_344, %scan3A_385 : i32
          %mul3A_387 = arith.constant 16 : i32
          %mul3A_388 = arith.muli %scan3A_386, %mul3A_387 : i32
          %get3A_389 = arith.constant 2 : i32
          %get3A_390 = arith.index_cast %get3A_389 : i32 to index
          %get3A_391 = arith.index_cast %mul3A_388 : i32 to index
          %get3A_392 = tpu.vector_load %arg5[%get3A_390, %get3A_391] {strides = array<i32>} : memref<4x128xi32, #tpu.memory_space<vmem>>, vector<16xi32>,
          %ge3A_393 = arith.constant 512000 : i32
          %ge3A_394 = vector.broadcast %ge3A_393 : i32 to vector<16xi32>
          %ge3A_395 = arith.cmpi sge, %get3A_392, %ge3A_394 : vector<16xi32>
          %jit3A_396 = arith.constant 1 : i32
          %jit3A_397 = arith.constant 0 : i32
          %broadcast_in_dim3A_398 = vector.broadcast %jit3A_396 : i32 to vector<16xi32>
          %broadcast_in_dim3A_399 = vector.broadcast %jit3A_397 : i32 to vector<16xi32>
          %select_n3A_400 = arith.select %ge3A_395, %broadcast_in_dim3A_398, %broadcast_in_dim3A_399 : vector<16xi1>, vector<16xi32>
          %mul3A_401 = arith.constant 512000 : i32
          %mul3A_402 = vector.broadcast %mul3A_401 : i32 to vector<16xi32>
          %mul3A_403 = arith.muli %select_n3A_400, %mul3A_402 : vector<16xi32>
          %sub3A_404 = arith.subi %get3A_392, %mul3A_403 : vector<16xi32>
          %swap3A_405 = arith.constant 2 : i32
          %swap3A_406 = arith.index_cast %swap3A_405 : i32 to index
          %swap3A_407 = arith.index_cast %mul3A_388 : i32 to index
          %swap3A_408 = tpu.vector_load %arg5[%swap3A_406, %swap3A_407] {strides = array<i32>} : memref<4x128xi32, #tpu.memory_space<vmem>>, vector<16xi32>,
          tpu.vector_store %arg5[%swap3A_406, %swap3A_407], %sub3A_404 {strides = array<i32>} : memref<4x128xi32, #tpu.memory_space<vmem>>, vector<16xi32>,
          %scan3A_409 = arith.constant 3 : i32
          %scan3A_410 = arith.addi %scan3A_344, %scan3A_409 : i32
          %mul3A_411 = arith.constant 16 : i32
          %mul3A_412 = arith.muli %scan3A_410, %mul3A_411 : i32
          %get3A_413 = arith.constant 2 : i32
          %get3A_414 = arith.index_cast %get3A_413 : i32 to index
          %get3A_415 = arith.index_cast %mul3A_412 : i32 to index
          %get3A_416 = tpu.vector_load %arg5[%get3A_414, %get3A_415] {strides = array<i32>} : memref<4x128xi32, #tpu.memory_space<vmem>>, vector<16xi32>,
          %ge3A_417 = arith.constant 512000 : i32
          %ge3A_418 = vector.broadcast %ge3A_417 : i32 to vector<16xi32>
          %ge3A_419 = arith.cmpi sge, %get3A_416, %ge3A_418 : vector<16xi32>
          %jit3A_420 = arith.constant 1 : i32
          %jit3A_421 = arith.constant 0 : i32
          %broadcast_in_dim3A_422 = vector.broadcast %jit3A_420 : i32 to vector<16xi32>
          %broadcast_in_dim3A_423 = vector.broadcast %jit3A_421 : i32 to vector<16xi32>
          %select_n3A_424 = arith.select %ge3A_419, %broadcast_in_dim3A_422, %broadcast_in_dim3A_423 : vector<16xi1>, vector<16xi32>
          %mul3A_425 = arith.constant 512000 : i32
          %mul3A_426 = vector.broadcast %mul3A_425 : i32 to vector<16xi32>
          %mul3A_427 = arith.muli %select_n3A_424, %mul3A_426 : vector<16xi32>
          %sub3A_428 = arith.subi %get3A_416, %mul3A_427 : vector<16xi32>
          %swap3A_429 = arith.constant 2 : i32
          %swap3A_430 = arith.index_cast %swap3A_429 : i32 to index
          %swap3A_431 = arith.index_cast %mul3A_412 : i32 to index
          %swap3A_432 = tpu.vector_load %arg5[%swap3A_430, %swap3A_431] {strides = array<i32>} : memref<4x128xi32, #tpu.memory_space<vmem>>, vector<16xi32>,
          tpu.vector_store %arg5[%swap3A_430, %swap3A_431], %sub3A_428 {strides = array<i32>} : memref<4x128xi32, #tpu.memory_space<vmem>>, vector<16xi32>,
        }
        %scan3A_328 = arith.constant 8 : i32
        %dma_start3A_329 = arith.constant 2 : i32
        %dma_start3A_330 = arith.constant 2 : i32
        %dma_start3A_331 = arith.constant 2 : i32
        %dma_start3A_332 = arith.constant 0 : i32
        %dma_start3A_333 = arith.constant 0 : i32
        %dma_start3A_334 = tpu.memref_slice %arg6[%dma_start3A_330, %dma_start3A_332, %dma_start3A_333] : memref<4x128x128xf32, #tpu.memory_space<vmem>> -> memref<1x128x128xf32, #tpu.memory_space<vmem>>
        %dma_start3A_335 = tpu.memref_squeeze %dma_start3A_334 : memref<1x128x128xf32, #tpu.memory_space<vmem>> -> memref<128x128xf32, #tpu.memory_space<vmem>>
        %dma_start3A_336 = arith.constant 0 : i32
        %dma_start3A_337 = tpu.memref_slice %arg5[%dma_start3A_329, %dma_start3A_336] : memref<4x128xi32, #tpu.memory_space<vmem>> -> memref<1x128xi32, #tpu.memory_space<vmem>>
        %dma_start3A_338 = tpu.memref_squeeze %dma_start3A_337 : memref<1x128xi32, #tpu.memory_space<vmem>> -> memref<128xi32, #tpu.memory_space<vmem>>
        %dma_start3A_339 = arith.constant 0 : i32
        %dma_start3A_340 = arith.constant 0 : i32
        %dma_start3A_341 = tpu.memref_slice %arg3[%dma_start3A_339, %dma_start3A_340] : memref<512000x128xf32, #tpu.memory_space<hbm>> -> memref<512000x128xf32, #tpu.memory_space<hbm>>
        %dma_start3A_342 = tpu.memref_slice %arg7[%dma_start3A_331] : memref<4x!tpu.dma_semaphore, #tpu.memory_space<semaphore_mem>> -> memref<1x!tpu.dma_semaphore, #tpu.memory_space<semaphore_mem>>
        %dma_start3A_343 = tpu.memref_squeeze %dma_start3A_342 : memref<1x!tpu.dma_semaphore, #tpu.memory_space<semaphore_mem>> -> memref<!tpu.dma_semaphore, #tpu.memory_space<semaphore_mem>>
        tpu.enqueue_indirect_dma source(%dma_start3A_341 : memref<512000x128xf32, #tpu.memory_space<hbm>>) target(%dma_start3A_335 : memref<128x128xf32, #tpu.memory_space<vmem>>) offsets(%dma_start3A_338 : memref<128xi32, #tpu.memory_space<vmem>>) semaphore(%dma_start3A_343 : memref<!tpu.dma_semaphore, #tpu.memory_space<semaphore_mem>>)
      } else {
      }
      %dma_wait3A_173 = arith.constant 1 : i32
      %dma_wait3A_174 = arith.constant 1 : i32
      %dma_wait3A_175 = arith.constant 1 : i32
      %dma_wait3A_176 = arith.constant 0 : i32
      %dma_wait3A_177 = arith.constant 0 : i32
      %dma_wait3A_178 = tpu.memref_slice %arg6[%dma_wait3A_174, %dma_wait3A_176, %dma_wait3A_177] : memref<4x128x128xf32, #tpu.memory_space<vmem>> -> memref<1x128x128xf32, #tpu.memory_space<vmem>>
      %dma_wait3A_179 = tpu.memref_squeeze %dma_wait3A_178 : memref<1x128x128xf32, #tpu.memory_space<vmem>> -> memref<128x128xf32, #tpu.memory_space<vmem>>
      %dma_wait3A_180 = arith.constant 0 : i32
      %dma_wait3A_181 = tpu.memref_slice %arg5[%dma_wait3A_173, %dma_wait3A_180] : memref<4x128xi32, #tpu.memory_space<vmem>> -> memref<1x128xi32, #tpu.memory_space<vmem>>
      %dma_wait3A_182 = tpu.memref_squeeze %dma_wait3A_181 : memref<1x128xi32, #tpu.memory_space<vmem>> -> memref<128xi32, #tpu.memory_space<vmem>>
      %dma_wait3A_183 = arith.constant 0 : i32
      %dma_wait3A_184 = arith.constant 0 : i32
      %dma_wait3A_185 = tpu.memref_slice %arg3[%dma_wait3A_183, %dma_wait3A_184] : memref<512000x128xf32, #tpu.memory_space<hbm>> -> memref<512000x128xf32, #tpu.memory_space<hbm>>
      %dma_wait3A_186 = tpu.memref_slice %arg7[%dma_wait3A_175] : memref<4x!tpu.dma_semaphore, #tpu.memory_space<semaphore_mem>> -> memref<1x!tpu.dma_semaphore, #tpu.memory_space<semaphore_mem>>
      %dma_wait3A_187 = tpu.memref_squeeze %dma_wait3A_186 : memref<1x!tpu.dma_semaphore, #tpu.memory_space<semaphore_mem>> -> memref<!tpu.dma_semaphore, #tpu.memory_space<semaphore_mem>>
      tpu.wait_indirect_dma semaphore(%dma_wait3A_187 : memref<!tpu.dma_semaphore, #tpu.memory_space<semaphore_mem>>) src(%dma_wait3A_185 : memref<512000x128xf32, #tpu.memory_space<hbm>>) dst(%dma_wait3A_179 : memref<128x128xf32, #tpu.memory_space<vmem>>)
      %mul3A_188 = arith.constant 128 : i32
      %mul3A_189 = arith.muli %add3A_155, %mul3A_188 : i32
      %add3A_190 = arith.addi %mul3A_2, %mul3A_189 : i32
      %dma_start3A_191 = arith.constant 1 : i32
      %dma_start3A_192 = arith.constant 1 : i32
      %dma_start3A_193 = arith.constant 0 : i32
      %dma_start3A_194 = arith.constant 0 : i32
      %dma_start3A_195 = tpu.memref_slice %arg6[%dma_start3A_191, %dma_start3A_193, %dma_start3A_194] : memref<4x128x128xf32, #tpu.memory_space<vmem>> -> memref<1x128x128xf32, #tpu.memory_space<vmem>>
      %dma_start3A_196 = tpu.memref_squeeze %dma_start3A_195 : memref<1x128x128xf32, #tpu.memory_space<vmem>> -> memref<128x128xf32, #tpu.memory_space<vmem>>
      %dma_start3A_197 = arith.constant 0 : i32
      %dma_start3A_198 = tpu.memref_slice %arg4[%add3A_190, %dma_start3A_197] : memref<524288x128xf32, #tpu.memory_space<hbm>> -> memref<128x128xf32, #tpu.memory_space<hbm>>
      %dma_start3A_199 = tpu.memref_slice %arg8[%dma_start3A_192] : memref<4x!tpu.dma_semaphore, #tpu.memory_space<semaphore_mem>> -> memref<1x!tpu.dma_semaphore, #tpu.memory_space<semaphore_mem>>
      %dma_start3A_200 = tpu.memref_squeeze %dma_start3A_199 : memref<1x!tpu.dma_semaphore, #tpu.memory_space<semaphore_mem>> -> memref<!tpu.dma_semaphore, #tpu.memory_space<semaphore_mem>>
      %dma_start3A_201 = arith.constant 0 : i32
      %dma_start3A_202 = tpu.memref_slice %arg4[%add3A_190, %dma_start3A_201] : memref<524288x128xf32, #tpu.memory_space<hbm>> -> memref<128x128xf32, #tpu.memory_space<hbm>>
      %dma_start3A_203 = arith.constant 0 : i32
      %dma_start3A_204 = arith.constant 0 : i32
      %dma_start3A_205 = tpu.memref_slice %arg6[%dma_start3A_191, %dma_start3A_203, %dma_start3A_204] : memref<4x128x128xf32, #tpu.memory_space<vmem>> -> memref<1x128x128xf32, #tpu.memory_space<vmem>>
      %dma_start3A_206 = tpu.memref_squeeze %dma_start3A_205 : memref<1x128x128xf32, #tpu.memory_space<vmem>> -> memref<128x128xf32, #tpu.memory_space<vmem>>
      tpu.enqueue_dma source(%dma_start3A_206 : memref<128x128xf32, #tpu.memory_space<vmem>>) target(%dma_start3A_202 : memref<128x128xf32, #tpu.memory_space<hbm>>) target_semaphore(%dma_start3A_200 : memref<!tpu.dma_semaphore, #tpu.memory_space<semaphore_mem>>)
      %mul3A_207 = arith.constant 4 : i32
      %mul3A_208 = arith.muli %scan3A_101, %mul3A_207 : i32
      %add3A_209 = arith.constant 2 : i32
      %add3A_210 = arith.addi %mul3A_208, %add3A_209 : i32
      %add3A_211 = arith.constant 1 : i32
      %add3A_212 = arith.addi %add3A_210, %add3A_211 : i32
      %lt3A_213 = arith.constant 128 : i32
      %lt3A_214 = arith.cmpi slt, %add3A_212, %lt3A_213 : i32
      %ge3A_215 = arith.constant 3 : i32
      %ge3A_216 = arith.cmpi sge, %add3A_210, %ge3A_215 : i32
      %and3A_217 = arith.andi %lt3A_214, %ge3A_216 : i1
      %convert_element_type3A_218 = arith.extui %and3A_217 : i1 to i32
      %cond3A_219 = arith.constant 0 : i32
      %cond3A_220 = arith.cmpi ne, %convert_element_type3A_218, %cond3A_219 : i32
      scf.if %cond3A_220 {
        %add3A_317 = arith.constant 1 : i32
        %add3A_318 = arith.addi %add3A_210, %add3A_317 : i32
        %sub3A = arith.constant 4 : i32
        %sub3A_319 = arith.subi %add3A_318, %sub3A : i32
        %mul3A_320 = arith.constant 128 : i32
        %mul3A_321 = arith.muli %sub3A_319, %mul3A_320 : i32
        %add3A_322 = arith.addi %mul3A_2, %mul3A_321 : i32
        %dma_wait3A_323 = arith.constant 3 : i32
        %dma_wait3A_324 = arith.constant 3 : i32
        %dma_wait3A_325 = arith.constant 0 : i32
        %dma_wait3A_326 = arith.constant 0 : i32
        %dma_wait3A_327 = tpu.memref_slice %arg6[%dma_wait3A_323, %dma_wait3A_325, %dma_wait3A_326] : memref<4x128x128xf32, #tpu.memory_space<vmem>> -> memref<1x128x128xf32, #tpu.memory_space<vmem>>
        %dma_wait3A_328 = tpu.memref_squeeze %dma_wait3A_327 : memref<1x128x128xf32, #tpu.memory_space<vmem>> -> memref<128x128xf32, #tpu.memory_space<vmem>>
        %dma_wait3A_329 = arith.constant 0 : i32
        %dma_wait3A_330 = tpu.memref_slice %arg4[%add3A_322, %dma_wait3A_329] : memref<524288x128xf32, #tpu.memory_space<hbm>> -> memref<128x128xf32, #tpu.memory_space<hbm>>
        %dma_wait3A_331 = tpu.memref_slice %arg8[%dma_wait3A_324] : memref<4x!tpu.dma_semaphore, #tpu.memory_space<semaphore_mem>> -> memref<1x!tpu.dma_semaphore, #tpu.memory_space<semaphore_mem>>
        %dma_wait3A_332 = tpu.memref_squeeze %dma_wait3A_331 : memref<1x!tpu.dma_semaphore, #tpu.memory_space<semaphore_mem>> -> memref<!tpu.dma_semaphore, #tpu.memory_space<semaphore_mem>>
        %dma_wait3A_333 = arith.constant 0 : i32
        %dma_wait3A_334 = tpu.memref_slice %arg4[%add3A_322, %dma_wait3A_333] : memref<524288x128xf32, #tpu.memory_space<hbm>> -> memref<128x128xf32, #tpu.memory_space<hbm>>
        %dma_wait3A_335 = arith.constant 0 : i32
        %dma_wait3A_336 = arith.constant 0 : i32
        %dma_wait3A_337 = tpu.memref_slice %arg6[%dma_wait3A_323, %dma_wait3A_335, %dma_wait3A_336] : memref<4x128x128xf32, #tpu.memory_space<vmem>> -> memref<1x128x128xf32, #tpu.memory_space<vmem>>
        %dma_wait3A_338 = tpu.memref_squeeze %dma_wait3A_337 : memref<1x128x128xf32, #tpu.memory_space<vmem>> -> memref<128x128xf32, #tpu.memory_space<vmem>>
        tpu.wait_dma2 semaphore(%dma_wait3A_332 : memref<!tpu.dma_semaphore, #tpu.memory_space<semaphore_mem>>) src(%dma_wait3A_338 : memref<128x128xf32, #tpu.memory_space<vmem>>) dst(%dma_wait3A_334 : memref<128x128xf32, #tpu.memory_space<hbm>>)
      } else {
      }
      %add3A_221 = arith.constant 1 : i32
      %add3A_222 = arith.addi %add3A_210, %add3A_221 : i32
      %lt3A_223 = arith.constant 128 : i32
      %lt3A_224 = arith.cmpi slt, %add3A_222, %lt3A_223 : i32
      %convert_element_type3A_225 = arith.extui %lt3A_224 : i1 to i32
      %cond3A_226 = arith.constant 0 : i32
      %cond3A_227 = arith.cmpi ne, %convert_element_type3A_225, %cond3A_226 : i32
      scf.if %cond3A_227 {
        %add3A_317 = arith.constant 1 : i32
        %add3A_318 = arith.addi %add3A_210, %add3A_317 : i32
        %mul3A_319 = arith.constant 128 : i32
        %mul3A_320 = arith.muli %add3A_318, %mul3A_319 : i32
        %add3A_321 = arith.addi %mul3A_2, %mul3A_320 : i32
        %run_scoped3A_322 = arith.constant 3 : i32
        "tpu.region"() ({
          %run_scoped3A_344 = tpu.sem_alloc : memref<!tpu.dma_semaphore, #tpu.memory_space<semaphore_mem>>
          %dma_start3A_345 = arith.constant 0 : i32
          %dma_start3A_346 = tpu.memref_slice %arg5[%run_scoped3A_322, %dma_start3A_345] : memref<4x128xi32, #tpu.memory_space<vmem>> -> memref<1x128xi32, #tpu.memory_space<vmem>>
          %dma_start3A_347 = tpu.memref_squeeze %dma_start3A_346 : memref<1x128xi32, #tpu.memory_space<vmem>> -> memref<128xi32, #tpu.memory_space<vmem>>
          %dma_start3A_348 = tpu.memref_slice %arg2[%add3A_321] : memref<524288xi32, #tpu.memory_space<hbm>> -> memref<128xi32, #tpu.memory_space<hbm>>
          %dma_start3A_349 = arith.constant 0 : i32
          %dma_start3A_350 = tpu.memref_slice %arg5[%run_scoped3A_322, %dma_start3A_349] : memref<4x128xi32, #tpu.memory_space<vmem>> -> memref<1x128xi32, #tpu.memory_space<vmem>>
          %dma_start3A_351 = tpu.memref_squeeze %dma_start3A_350 : memref<1x128xi32, #tpu.memory_space<vmem>> -> memref<128xi32, #tpu.memory_space<vmem>>
          %dma_start3A_352 = tpu.memref_slice %arg2[%add3A_321] : memref<524288xi32, #tpu.memory_space<hbm>> -> memref<128xi32, #tpu.memory_space<hbm>>
          tpu.enqueue_dma source(%dma_start3A_352 : memref<128xi32, #tpu.memory_space<hbm>>) target(%dma_start3A_351 : memref<128xi32, #tpu.memory_space<vmem>>) target_semaphore(%run_scoped3A_344 : memref<!tpu.dma_semaphore, #tpu.memory_space<semaphore_mem>>)
          %dma_wait3A_353 = arith.constant 0 : i32
          %dma_wait3A_354 = tpu.memref_slice %arg5[%run_scoped3A_322, %dma_wait3A_353] : memref<4x128xi32, #tpu.memory_space<vmem>> -> memref<1x128xi32, #tpu.memory_space<vmem>>
          %dma_wait3A_355 = tpu.memref_squeeze %dma_wait3A_354 : memref<1x128xi32, #tpu.memory_space<vmem>> -> memref<128xi32, #tpu.memory_space<vmem>>
          %dma_wait3A_356 = tpu.memref_slice %arg2[%add3A_321] : memref<524288xi32, #tpu.memory_space<hbm>> -> memref<128xi32, #tpu.memory_space<hbm>>
          %dma_wait3A_357 = arith.constant 0 : i32
          %dma_wait3A_358 = tpu.memref_slice %arg5[%run_scoped3A_322, %dma_wait3A_357] : memref<4x128xi32, #tpu.memory_space<vmem>> -> memref<1x128xi32, #tpu.memory_space<vmem>>
          %dma_wait3A_359 = tpu.memref_squeeze %dma_wait3A_358 : memref<1x128xi32, #tpu.memory_space<vmem>> -> memref<128xi32, #tpu.memory_space<vmem>>
          %dma_wait3A_360 = tpu.memref_slice %arg2[%add3A_321] : memref<524288xi32, #tpu.memory_space<hbm>> -> memref<128xi32, #tpu.memory_space<hbm>>
          tpu.wait_dma2 semaphore(%run_scoped3A_344 : memref<!tpu.dma_semaphore, #tpu.memory_space<semaphore_mem>>) src(%dma_wait3A_360 : memref<128xi32, #tpu.memory_space<hbm>>) dst(%dma_wait3A_359 : memref<128xi32, #tpu.memory_space<vmem>>)
          tpu.yield
        }) : () -> ()
        %scan3A_323 = arith.constant 0 : i32
        %scan3A_324 = arith.constant 0 : i32
        %scan3A_325 = arith.constant 8 : i32
        %scan3A_326 = arith.addi %scan3A_324, %scan3A_325 : i32
        %scan3A_327 = arith.constant 4 : i32
        scf.for %scan3A_344 = %scan3A_324 to %scan3A_326 step %scan3A_327  : i32 {
          %mul3A_345 = arith.constant 16 : i32
          %mul3A_346 = arith.muli %scan3A_344, %mul3A_345 : i32
          %get3A = arith.constant 3 : i32
          %get3A_347 = arith.index_cast %get3A : i32 to index
          %get3A_348 = arith.index_cast %mul3A_346 : i32 to index
          %get3A_349 = tpu.vector_load %arg5[%get3A_347, %get3A_348] {strides = array<i32>} : memref<4x128xi32, #tpu.memory_space<vmem>>, vector<16xi32>,
          %ge3A_350 = arith.constant 512000 : i32
          %ge3A_351 = vector.broadcast %ge3A_350 : i32 to vector<16xi32>
          %ge3A_352 = arith.cmpi sge, %get3A_349, %ge3A_351 : vector<16xi32>
          %jit3A = arith.constant 1 : i32
          %jit3A_353 = arith.constant 0 : i32
          %broadcast_in_dim3A = vector.broadcast %jit3A : i32 to vector<16xi32>
          %broadcast_in_dim3A_354 = vector.broadcast %jit3A_353 : i32 to vector<16xi32>
          %select_n3A = arith.select %ge3A_352, %broadcast_in_dim3A, %broadcast_in_dim3A_354 : vector<16xi1>, vector<16xi32>
          %mul3A_355 = arith.constant 512000 : i32
          %mul3A_356 = vector.broadcast %mul3A_355 : i32 to vector<16xi32>
          %mul3A_357 = arith.muli %select_n3A, %mul3A_356 : vector<16xi32>
          %sub3A = arith.subi %get3A_349, %mul3A_357 : vector<16xi32>
          %swap3A = arith.constant 3 : i32
          %swap3A_358 = arith.index_cast %swap3A : i32 to index
          %swap3A_359 = arith.index_cast %mul3A_346 : i32 to index
          %swap3A_360 = tpu.vector_load %arg5[%swap3A_358, %swap3A_359] {strides = array<i32>} : memref<4x128xi32, #tpu.memory_space<vmem>>, vector<16xi32>,
          tpu.vector_store %arg5[%swap3A_358, %swap3A_359], %sub3A {strides = array<i32>} : memref<4x128xi32, #tpu.memory_space<vmem>>, vector<16xi32>,
          %scan3A_361 = arith.constant 1 : i32
          %scan3A_362 = arith.addi %scan3A_344, %scan3A_361 : i32
          %mul3A_363 = arith.constant 16 : i32
          %mul3A_364 = arith.muli %scan3A_362, %mul3A_363 : i32
          %get3A_365 = arith.constant 3 : i32
          %get3A_366 = arith.index_cast %get3A_365 : i32 to index
          %get3A_367 = arith.index_cast %mul3A_364 : i32 to index
          %get3A_368 = tpu.vector_load %arg5[%get3A_366, %get3A_367] {strides = array<i32>} : memref<4x128xi32, #tpu.memory_space<vmem>>, vector<16xi32>,
          %ge3A_369 = arith.constant 512000 : i32
          %ge3A_370 = vector.broadcast %ge3A_369 : i32 to vector<16xi32>
          %ge3A_371 = arith.cmpi sge, %get3A_368, %ge3A_370 : vector<16xi32>
          %jit3A_372 = arith.constant 1 : i32
          %jit3A_373 = arith.constant 0 : i32
          %broadcast_in_dim3A_374 = vector.broadcast %jit3A_372 : i32 to vector<16xi32>
          %broadcast_in_dim3A_375 = vector.broadcast %jit3A_373 : i32 to vector<16xi32>
          %select_n3A_376 = arith.select %ge3A_371, %broadcast_in_dim3A_374, %broadcast_in_dim3A_375 : vector<16xi1>, vector<16xi32>
          %mul3A_377 = arith.constant 512000 : i32
          %mul3A_378 = vector.broadcast %mul3A_377 : i32 to vector<16xi32>
          %mul3A_379 = arith.muli %select_n3A_376, %mul3A_378 : vector<16xi32>
          %sub3A_380 = arith.subi %get3A_368, %mul3A_379 : vector<16xi32>
          %swap3A_381 = arith.constant 3 : i32
          %swap3A_382 = arith.index_cast %swap3A_381 : i32 to index
          %swap3A_383 = arith.index_cast %mul3A_364 : i32 to index
          %swap3A_384 = tpu.vector_load %arg5[%swap3A_382, %swap3A_383] {strides = array<i32>} : memref<4x128xi32, #tpu.memory_space<vmem>>, vector<16xi32>,
          tpu.vector_store %arg5[%swap3A_382, %swap3A_383], %sub3A_380 {strides = array<i32>} : memref<4x128xi32, #tpu.memory_space<vmem>>, vector<16xi32>,
          %scan3A_385 = arith.constant 2 : i32
          %scan3A_386 = arith.addi %scan3A_344, %scan3A_385 : i32
          %mul3A_387 = arith.constant 16 : i32
          %mul3A_388 = arith.muli %scan3A_386, %mul3A_387 : i32
          %get3A_389 = arith.constant 3 : i32
          %get3A_390 = arith.index_cast %get3A_389 : i32 to index
          %get3A_391 = arith.index_cast %mul3A_388 : i32 to index
          %get3A_392 = tpu.vector_load %arg5[%get3A_390, %get3A_391] {strides = array<i32>} : memref<4x128xi32, #tpu.memory_space<vmem>>, vector<16xi32>,
          %ge3A_393 = arith.constant 512000 : i32
          %ge3A_394 = vector.broadcast %ge3A_393 : i32 to vector<16xi32>
          %ge3A_395 = arith.cmpi sge, %get3A_392, %ge3A_394 : vector<16xi32>
          %jit3A_396 = arith.constant 1 : i32
          %jit3A_397 = arith.constant 0 : i32
          %broadcast_in_dim3A_398 = vector.broadcast %jit3A_396 : i32 to vector<16xi32>
          %broadcast_in_dim3A_399 = vector.broadcast %jit3A_397 : i32 to vector<16xi32>
          %select_n3A_400 = arith.select %ge3A_395, %broadcast_in_dim3A_398, %broadcast_in_dim3A_399 : vector<16xi1>, vector<16xi32>
          %mul3A_401 = arith.constant 512000 : i32
          %mul3A_402 = vector.broadcast %mul3A_401 : i32 to vector<16xi32>
          %mul3A_403 = arith.muli %select_n3A_400, %mul3A_402 : vector<16xi32>
          %sub3A_404 = arith.subi %get3A_392, %mul3A_403 : vector<16xi32>
          %swap3A_405 = arith.constant 3 : i32
          %swap3A_406 = arith.index_cast %swap3A_405 : i32 to index
          %swap3A_407 = arith.index_cast %mul3A_388 : i32 to index
          %swap3A_408 = tpu.vector_load %arg5[%swap3A_406, %swap3A_407] {strides = array<i32>} : memref<4x128xi32, #tpu.memory_space<vmem>>, vector<16xi32>,
          tpu.vector_store %arg5[%swap3A_406, %swap3A_407], %sub3A_404 {strides = array<i32>} : memref<4x128xi32, #tpu.memory_space<vmem>>, vector<16xi32>,
          %scan3A_409 = arith.constant 3 : i32
          %scan3A_410 = arith.addi %scan3A_344, %scan3A_409 : i32
          %mul3A_411 = arith.constant 16 : i32
          %mul3A_412 = arith.muli %scan3A_410, %mul3A_411 : i32
          %get3A_413 = arith.constant 3 : i32
          %get3A_414 = arith.index_cast %get3A_413 : i32 to index
          %get3A_415 = arith.index_cast %mul3A_412 : i32 to index
          %get3A_416 = tpu.vector_load %arg5[%get3A_414, %get3A_415] {strides = array<i32>} : memref<4x128xi32, #tpu.memory_space<vmem>>, vector<16xi32>,
          %ge3A_417 = arith.constant 512000 : i32
          %ge3A_418 = vector.broadcast %ge3A_417 : i32 to vector<16xi32>
          %ge3A_419 = arith.cmpi sge, %get3A_416, %ge3A_418 : vector<16xi32>
          %jit3A_420 = arith.constant 1 : i32
          %jit3A_421 = arith.constant 0 : i32
          %broadcast_in_dim3A_422 = vector.broadcast %jit3A_420 : i32 to vector<16xi32>
          %broadcast_in_dim3A_423 = vector.broadcast %jit3A_421 : i32 to vector<16xi32>
          %select_n3A_424 = arith.select %ge3A_419, %broadcast_in_dim3A_422, %broadcast_in_dim3A_423 : vector<16xi1>, vector<16xi32>
          %mul3A_425 = arith.constant 512000 : i32
          %mul3A_426 = vector.broadcast %mul3A_425 : i32 to vector<16xi32>
          %mul3A_427 = arith.muli %select_n3A_424, %mul3A_426 : vector<16xi32>
          %sub3A_428 = arith.subi %get3A_416, %mul3A_427 : vector<16xi32>
          %swap3A_429 = arith.constant 3 : i32
          %swap3A_430 = arith.index_cast %swap3A_429 : i32 to index
          %swap3A_431 = arith.index_cast %mul3A_412 : i32 to index
          %swap3A_432 = tpu.vector_load %arg5[%swap3A_430, %swap3A_431] {strides = array<i32>} : memref<4x128xi32, #tpu.memory_space<vmem>>, vector<16xi32>,
          tpu.vector_store %arg5[%swap3A_430, %swap3A_431], %sub3A_428 {strides = array<i32>} : memref<4x128xi32, #tpu.memory_space<vmem>>, vector<16xi32>,
        }
        %scan3A_328 = arith.constant 8 : i32
        %dma_start3A_329 = arith.constant 3 : i32
        %dma_start3A_330 = arith.constant 3 : i32
        %dma_start3A_331 = arith.constant 3 : i32
        %dma_start3A_332 = arith.constant 0 : i32
        %dma_start3A_333 = arith.constant 0 : i32
        %dma_start3A_334 = tpu.memref_slice %arg6[%dma_start3A_330, %dma_start3A_332, %dma_start3A_333] : memref<4x128x128xf32, #tpu.memory_space<vmem>> -> memref<1x128x128xf32, #tpu.memory_space<vmem>>
        %dma_start3A_335 = tpu.memref_squeeze %dma_start3A_334 : memref<1x128x128xf32, #tpu.memory_space<vmem>> -> memref<128x128xf32, #tpu.memory_space<vmem>>
        %dma_start3A_336 = arith.constant 0 : i32
        %dma_start3A_337 = tpu.memref_slice %arg5[%dma_start3A_329, %dma_start3A_336] : memref<4x128xi32, #tpu.memory_space<vmem>> -> memref<1x128xi32, #tpu.memory_space<vmem>>
        %dma_start3A_338 = tpu.memref_squeeze %dma_start3A_337 : memref<1x128xi32, #tpu.memory_space<vmem>> -> memref<128xi32, #tpu.memory_space<vmem>>
        %dma_start3A_339 = arith.constant 0 : i32
        %dma_start3A_340 = arith.constant 0 : i32
        %dma_start3A_341 = tpu.memref_slice %arg3[%dma_start3A_339, %dma_start3A_340] : memref<512000x128xf32, #tpu.memory_space<hbm>> -> memref<512000x128xf32, #tpu.memory_space<hbm>>
        %dma_start3A_342 = tpu.memref_slice %arg7[%dma_start3A_331] : memref<4x!tpu.dma_semaphore, #tpu.memory_space<semaphore_mem>> -> memref<1x!tpu.dma_semaphore, #tpu.memory_space<semaphore_mem>>
        %dma_start3A_343 = tpu.memref_squeeze %dma_start3A_342 : memref<1x!tpu.dma_semaphore, #tpu.memory_space<semaphore_mem>> -> memref<!tpu.dma_semaphore, #tpu.memory_space<semaphore_mem>>
        tpu.enqueue_indirect_dma source(%dma_start3A_341 : memref<512000x128xf32, #tpu.memory_space<hbm>>) target(%dma_start3A_335 : memref<128x128xf32, #tpu.memory_space<vmem>>) offsets(%dma_start3A_338 : memref<128xi32, #tpu.memory_space<vmem>>) semaphore(%dma_start3A_343 : memref<!tpu.dma_semaphore, #tpu.memory_space<semaphore_mem>>)
      } else {
      }
      %dma_wait3A_228 = arith.constant 2 : i32
      %dma_wait3A_229 = arith.constant 2 : i32
      %dma_wait3A_230 = arith.constant 2 : i32
      %dma_wait3A_231 = arith.constant 0 : i32
      %dma_wait3A_232 = arith.constant 0 : i32
      %dma_wait3A_233 = tpu.memref_slice %arg6[%dma_wait3A_229, %dma_wait3A_231, %dma_wait3A_232] : memref<4x128x128xf32, #tpu.memory_space<vmem>> -> memref<1x128x128xf32, #tpu.memory_space<vmem>>
      %dma_wait3A_234 = tpu.memref_squeeze %dma_wait3A_233 : memref<1x128x128xf32, #tpu.memory_space<vmem>> -> memref<128x128xf32, #tpu.memory_space<vmem>>
      %dma_wait3A_235 = arith.constant 0 : i32
      %dma_wait3A_236 = tpu.memref_slice %arg5[%dma_wait3A_228, %dma_wait3A_235] : memref<4x128xi32, #tpu.memory_space<vmem>> -> memref<1x128xi32, #tpu.memory_space<vmem>>
      %dma_wait3A_237 = tpu.memref_squeeze %dma_wait3A_236 : memref<1x128xi32, #tpu.memory_space<vmem>> -> memref<128xi32, #tpu.memory_space<vmem>>
      %dma_wait3A_238 = arith.constant 0 : i32
      %dma_wait3A_239 = arith.constant 0 : i32
      %dma_wait3A_240 = tpu.memref_slice %arg3[%dma_wait3A_238, %dma_wait3A_239] : memref<512000x128xf32, #tpu.memory_space<hbm>> -> memref<512000x128xf32, #tpu.memory_space<hbm>>
      %dma_wait3A_241 = tpu.memref_slice %arg7[%dma_wait3A_230] : memref<4x!tpu.dma_semaphore, #tpu.memory_space<semaphore_mem>> -> memref<1x!tpu.dma_semaphore, #tpu.memory_space<semaphore_mem>>
      %dma_wait3A_242 = tpu.memref_squeeze %dma_wait3A_241 : memref<1x!tpu.dma_semaphore, #tpu.memory_space<semaphore_mem>> -> memref<!tpu.dma_semaphore, #tpu.memory_space<semaphore_mem>>
      tpu.wait_indirect_dma semaphore(%dma_wait3A_242 : memref<!tpu.dma_semaphore, #tpu.memory_space<semaphore_mem>>) src(%dma_wait3A_240 : memref<512000x128xf32, #tpu.memory_space<hbm>>) dst(%dma_wait3A_234 : memref<128x128xf32, #tpu.memory_space<vmem>>)
      %mul3A_243 = arith.constant 128 : i32
      %mul3A_244 = arith.muli %add3A_210, %mul3A_243 : i32
      %add3A_245 = arith.addi %mul3A_2, %mul3A_244 : i32
      %dma_start3A_246 = arith.constant 2 : i32
      %dma_start3A_247 = arith.constant 2 : i32
      %dma_start3A_248 = arith.constant 0 : i32
      %dma_start3A_249 = arith.constant 0 : i32
      %dma_start3A_250 = tpu.memref_slice %arg6[%dma_start3A_246, %dma_start3A_248, %dma_start3A_249] : memref<4x128x128xf32, #tpu.memory_space<vmem>> -> memref<1x128x128xf32, #tpu.memory_space<vmem>>
      %dma_start3A_251 = tpu.memref_squeeze %dma_start3A_250 : memref<1x128x128xf32, #tpu.memory_space<vmem>> -> memref<128x128xf32, #tpu.memory_space<vmem>>
      %dma_start3A_252 = arith.constant 0 : i32
      %dma_start3A_253 = tpu.memref_slice %arg4[%add3A_245, %dma_start3A_252] : memref<524288x128xf32, #tpu.memory_space<hbm>> -> memref<128x128xf32, #tpu.memory_space<hbm>>
      %dma_start3A_254 = tpu.memref_slice %arg8[%dma_start3A_247] : memref<4x!tpu.dma_semaphore, #tpu.memory_space<semaphore_mem>> -> memref<1x!tpu.dma_semaphore, #tpu.memory_space<semaphore_mem>>
      %dma_start3A_255 = tpu.memref_squeeze %dma_start3A_254 : memref<1x!tpu.dma_semaphore, #tpu.memory_space<semaphore_mem>> -> memref<!tpu.dma_semaphore, #tpu.memory_space<semaphore_mem>>
      %dma_start3A_256 = arith.constant 0 : i32
      %dma_start3A_257 = tpu.memref_slice %arg4[%add3A_245, %dma_start3A_256] : memref<524288x128xf32, #tpu.memory_space<hbm>> -> memref<128x128xf32, #tpu.memory_space<hbm>>
      %dma_start3A_258 = arith.constant 0 : i32
      %dma_start3A_259 = arith.constant 0 : i32
      %dma_start3A_260 = tpu.memref_slice %arg6[%dma_start3A_246, %dma_start3A_258, %dma_start3A_259] : memref<4x128x128xf32, #tpu.memory_space<vmem>> -> memref<1x128x128xf32, #tpu.memory_space<vmem>>
      %dma_start3A_261 = tpu.memref_squeeze %dma_start3A_260 : memref<1x128x128xf32, #tpu.memory_space<vmem>> -> memref<128x128xf32, #tpu.memory_space<vmem>>
      tpu.enqueue_dma source(%dma_start3A_261 : memref<128x128xf32, #tpu.memory_space<vmem>>) target(%dma_start3A_257 : memref<128x128xf32, #tpu.memory_space<hbm>>) target_semaphore(%dma_start3A_255 : memref<!tpu.dma_semaphore, #tpu.memory_space<semaphore_mem>>)
      %mul3A_262 = arith.constant 4 : i32
      %mul3A_263 = arith.muli %scan3A_101, %mul3A_262 : i32
      %add3A_264 = arith.constant 3 : i32
      %add3A_265 = arith.addi %mul3A_263, %add3A_264 : i32
      %add3A_266 = arith.constant 1 : i32
      %add3A_267 = arith.addi %add3A_265, %add3A_266 : i32
      %lt3A_268 = arith.constant 128 : i32
      %lt3A_269 = arith.cmpi slt, %add3A_267, %lt3A_268 : i32
      %ge3A_270 = arith.constant 3 : i32
      %ge3A_271 = arith.cmpi sge, %add3A_265, %ge3A_270 : i32
      %and3A_272 = arith.andi %lt3A_269, %ge3A_271 : i1
      %convert_element_type3A_273 = arith.extui %and3A_272 : i1 to i32
      %cond3A_274 = arith.constant 0 : i32
      %cond3A_275 = arith.cmpi ne, %convert_element_type3A_273, %cond3A_274 : i32
      scf.if %cond3A_275 {
        %add3A_317 = arith.constant 1 : i32
        %add3A_318 = arith.addi %add3A_265, %add3A_317 : i32
        %sub3A = arith.constant 4 : i32
        %sub3A_319 = arith.subi %add3A_318, %sub3A : i32
        %mul3A_320 = arith.constant 128 : i32
        %mul3A_321 = arith.muli %sub3A_319, %mul3A_320 : i32
        %add3A_322 = arith.addi %mul3A_2, %mul3A_321 : i32
        %dma_wait3A_323 = arith.constant 0 : i32
        %dma_wait3A_324 = arith.constant 0 : i32
        %dma_wait3A_325 = arith.constant 0 : i32
        %dma_wait3A_326 = arith.constant 0 : i32
        %dma_wait3A_327 = tpu.memref_slice %arg6[%dma_wait3A_323, %dma_wait3A_325, %dma_wait3A_326] : memref<4x128x128xf32, #tpu.memory_space<vmem>> -> memref<1x128x128xf32, #tpu.memory_space<vmem>>
        %dma_wait3A_328 = tpu.memref_squeeze %dma_wait3A_327 : memref<1x128x128xf32, #tpu.memory_space<vmem>> -> memref<128x128xf32, #tpu.memory_space<vmem>>
        %dma_wait3A_329 = arith.constant 0 : i32
        %dma_wait3A_330 = tpu.memref_slice %arg4[%add3A_322, %dma_wait3A_329] : memref<524288x128xf32, #tpu.memory_space<hbm>> -> memref<128x128xf32, #tpu.memory_space<hbm>>
        %dma_wait3A_331 = tpu.memref_slice %arg8[%dma_wait3A_324] : memref<4x!tpu.dma_semaphore, #tpu.memory_space<semaphore_mem>> -> memref<1x!tpu.dma_semaphore, #tpu.memory_space<semaphore_mem>>
        %dma_wait3A_332 = tpu.memref_squeeze %dma_wait3A_331 : memref<1x!tpu.dma_semaphore, #tpu.memory_space<semaphore_mem>> -> memref<!tpu.dma_semaphore, #tpu.memory_space<semaphore_mem>>
        %dma_wait3A_333 = arith.constant 0 : i32
        %dma_wait3A_334 = tpu.memref_slice %arg4[%add3A_322, %dma_wait3A_333] : memref<524288x128xf32, #tpu.memory_space<hbm>> -> memref<128x128xf32, #tpu.memory_space<hbm>>
        %dma_wait3A_335 = arith.constant 0 : i32
        %dma_wait3A_336 = arith.constant 0 : i32
        %dma_wait3A_337 = tpu.memref_slice %arg6[%dma_wait3A_323, %dma_wait3A_335, %dma_wait3A_336] : memref<4x128x128xf32, #tpu.memory_space<vmem>> -> memref<1x128x128xf32, #tpu.memory_space<vmem>>
        %dma_wait3A_338 = tpu.memref_squeeze %dma_wait3A_337 : memref<1x128x128xf32, #tpu.memory_space<vmem>> -> memref<128x128xf32, #tpu.memory_space<vmem>>
        tpu.wait_dma2 semaphore(%dma_wait3A_332 : memref<!tpu.dma_semaphore, #tpu.memory_space<semaphore_mem>>) src(%dma_wait3A_338 : memref<128x128xf32, #tpu.memory_space<vmem>>) dst(%dma_wait3A_334 : memref<128x128xf32, #tpu.memory_space<hbm>>)
      } else {
      }
      %add3A_276 = arith.constant 1 : i32
      %add3A_277 = arith.addi %add3A_265, %add3A_276 : i32
      %lt3A_278 = arith.constant 128 : i32
      %lt3A_279 = arith.cmpi slt, %add3A_277, %lt3A_278 : i32
      %convert_element_type3A_280 = arith.extui %lt3A_279 : i1 to i32
      %cond3A_281 = arith.constant 0 : i32
      %cond3A_282 = arith.cmpi ne, %convert_element_type3A_280, %cond3A_281 : i32
      scf.if %cond3A_282 {
        %add3A_317 = arith.constant 1 : i32
        %add3A_318 = arith.addi %add3A_265, %add3A_317 : i32
        %mul3A_319 = arith.constant 128 : i32
        %mul3A_320 = arith.muli %add3A_318, %mul3A_319 : i32
        %add3A_321 = arith.addi %mul3A_2, %mul3A_320 : i32
        %run_scoped3A_322 = arith.constant 0 : i32
        "tpu.region"() ({
          %run_scoped3A_344 = tpu.sem_alloc : memref<!tpu.dma_semaphore, #tpu.memory_space<semaphore_mem>>
          %dma_start3A_345 = arith.constant 0 : i32
          %dma_start3A_346 = tpu.memref_slice %arg5[%run_scoped3A_322, %dma_start3A_345] : memref<4x128xi32, #tpu.memory_space<vmem>> -> memref<1x128xi32, #tpu.memory_space<vmem>>
          %dma_start3A_347 = tpu.memref_squeeze %dma_start3A_346 : memref<1x128xi32, #tpu.memory_space<vmem>> -> memref<128xi32, #tpu.memory_space<vmem>>
          %dma_start3A_348 = tpu.memref_slice %arg2[%add3A_321] : memref<524288xi32, #tpu.memory_space<hbm>> -> memref<128xi32, #tpu.memory_space<hbm>>
          %dma_start3A_349 = arith.constant 0 : i32
          %dma_start3A_350 = tpu.memref_slice %arg5[%run_scoped3A_322, %dma_start3A_349] : memref<4x128xi32, #tpu.memory_space<vmem>> -> memref<1x128xi32, #tpu.memory_space<vmem>>
          %dma_start3A_351 = tpu.memref_squeeze %dma_start3A_350 : memref<1x128xi32, #tpu.memory_space<vmem>> -> memref<128xi32, #tpu.memory_space<vmem>>
          %dma_start3A_352 = tpu.memref_slice %arg2[%add3A_321] : memref<524288xi32, #tpu.memory_space<hbm>> -> memref<128xi32, #tpu.memory_space<hbm>>
          tpu.enqueue_dma source(%dma_start3A_352 : memref<128xi32, #tpu.memory_space<hbm>>) target(%dma_start3A_351 : memref<128xi32, #tpu.memory_space<vmem>>) target_semaphore(%run_scoped3A_344 : memref<!tpu.dma_semaphore, #tpu.memory_space<semaphore_mem>>)
          %dma_wait3A_353 = arith.constant 0 : i32
          %dma_wait3A_354 = tpu.memref_slice %arg5[%run_scoped3A_322, %dma_wait3A_353] : memref<4x128xi32, #tpu.memory_space<vmem>> -> memref<1x128xi32, #tpu.memory_space<vmem>>
          %dma_wait3A_355 = tpu.memref_squeeze %dma_wait3A_354 : memref<1x128xi32, #tpu.memory_space<vmem>> -> memref<128xi32, #tpu.memory_space<vmem>>
          %dma_wait3A_356 = tpu.memref_slice %arg2[%add3A_321] : memref<524288xi32, #tpu.memory_space<hbm>> -> memref<128xi32, #tpu.memory_space<hbm>>
          %dma_wait3A_357 = arith.constant 0 : i32
          %dma_wait3A_358 = tpu.memref_slice %arg5[%run_scoped3A_322, %dma_wait3A_357] : memref<4x128xi32, #tpu.memory_space<vmem>> -> memref<1x128xi32, #tpu.memory_space<vmem>>
          %dma_wait3A_359 = tpu.memref_squeeze %dma_wait3A_358 : memref<1x128xi32, #tpu.memory_space<vmem>> -> memref<128xi32, #tpu.memory_space<vmem>>
          %dma_wait3A_360 = tpu.memref_slice %arg2[%add3A_321] : memref<524288xi32, #tpu.memory_space<hbm>> -> memref<128xi32, #tpu.memory_space<hbm>>
          tpu.wait_dma2 semaphore(%run_scoped3A_344 : memref<!tpu.dma_semaphore, #tpu.memory_space<semaphore_mem>>) src(%dma_wait3A_360 : memref<128xi32, #tpu.memory_space<hbm>>) dst(%dma_wait3A_359 : memref<128xi32, #tpu.memory_space<vmem>>)
          tpu.yield
        }) : () -> ()
        %scan3A_323 = arith.constant 0 : i32
        %scan3A_324 = arith.constant 0 : i32
        %scan3A_325 = arith.constant 8 : i32
        %scan3A_326 = arith.addi %scan3A_324, %scan3A_325 : i32
        %scan3A_327 = arith.constant 4 : i32
        scf.for %scan3A_344 = %scan3A_324 to %scan3A_326 step %scan3A_327  : i32 {
          %mul3A_345 = arith.constant 16 : i32
          %mul3A_346 = arith.muli %scan3A_344, %mul3A_345 : i32
          %get3A = arith.constant 0 : i32
          %get3A_347 = arith.index_cast %get3A : i32 to index
          %get3A_348 = arith.index_cast %mul3A_346 : i32 to index
          %get3A_349 = tpu.vector_load %arg5[%get3A_347, %get3A_348] {strides = array<i32>} : memref<4x128xi32, #tpu.memory_space<vmem>>, vector<16xi32>,
          %ge3A_350 = arith.constant 512000 : i32
          %ge3A_351 = vector.broadcast %ge3A_350 : i32 to vector<16xi32>
          %ge3A_352 = arith.cmpi sge, %get3A_349, %ge3A_351 : vector<16xi32>
          %jit3A = arith.constant 1 : i32
          %jit3A_353 = arith.constant 0 : i32
          %broadcast_in_dim3A = vector.broadcast %jit3A : i32 to vector<16xi32>
          %broadcast_in_dim3A_354 = vector.broadcast %jit3A_353 : i32 to vector<16xi32>
          %select_n3A = arith.select %ge3A_352, %broadcast_in_dim3A, %broadcast_in_dim3A_354 : vector<16xi1>, vector<16xi32>
          %mul3A_355 = arith.constant 512000 : i32
          %mul3A_356 = vector.broadcast %mul3A_355 : i32 to vector<16xi32>
          %mul3A_357 = arith.muli %select_n3A, %mul3A_356 : vector<16xi32>
          %sub3A = arith.subi %get3A_349, %mul3A_357 : vector<16xi32>
          %swap3A = arith.constant 0 : i32
          %swap3A_358 = arith.index_cast %swap3A : i32 to index
          %swap3A_359 = arith.index_cast %mul3A_346 : i32 to index
          %swap3A_360 = tpu.vector_load %arg5[%swap3A_358, %swap3A_359] {strides = array<i32>} : memref<4x128xi32, #tpu.memory_space<vmem>>, vector<16xi32>,
          tpu.vector_store %arg5[%swap3A_358, %swap3A_359], %sub3A {strides = array<i32>} : memref<4x128xi32, #tpu.memory_space<vmem>>, vector<16xi32>,
          %scan3A_361 = arith.constant 1 : i32
          %scan3A_362 = arith.addi %scan3A_344, %scan3A_361 : i32
          %mul3A_363 = arith.constant 16 : i32
          %mul3A_364 = arith.muli %scan3A_362, %mul3A_363 : i32
          %get3A_365 = arith.constant 0 : i32
          %get3A_366 = arith.index_cast %get3A_365 : i32 to index
          %get3A_367 = arith.index_cast %mul3A_364 : i32 to index
          %get3A_368 = tpu.vector_load %arg5[%get3A_366, %get3A_367] {strides = array<i32>} : memref<4x128xi32, #tpu.memory_space<vmem>>, vector<16xi32>,
          %ge3A_369 = arith.constant 512000 : i32
          %ge3A_370 = vector.broadcast %ge3A_369 : i32 to vector<16xi32>
          %ge3A_371 = arith.cmpi sge, %get3A_368, %ge3A_370 : vector<16xi32>
          %jit3A_372 = arith.constant 1 : i32
          %jit3A_373 = arith.constant 0 : i32
          %broadcast_in_dim3A_374 = vector.broadcast %jit3A_372 : i32 to vector<16xi32>
          %broadcast_in_dim3A_375 = vector.broadcast %jit3A_373 : i32 to vector<16xi32>
          %select_n3A_376 = arith.select %ge3A_371, %broadcast_in_dim3A_374, %broadcast_in_dim3A_375 : vector<16xi1>, vector<16xi32>
          %mul3A_377 = arith.constant 512000 : i32
          %mul3A_378 = vector.broadcast %mul3A_377 : i32 to vector<16xi32>
          %mul3A_379 = arith.muli %select_n3A_376, %mul3A_378 : vector<16xi32>
          %sub3A_380 = arith.subi %get3A_368, %mul3A_379 : vector<16xi32>
          %swap3A_381 = arith.constant 0 : i32
          %swap3A_382 = arith.index_cast %swap3A_381 : i32 to index
          %swap3A_383 = arith.index_cast %mul3A_364 : i32 to index
          %swap3A_384 = tpu.vector_load %arg5[%swap3A_382, %swap3A_383] {strides = array<i32>} : memref<4x128xi32, #tpu.memory_space<vmem>>, vector<16xi32>,
          tpu.vector_store %arg5[%swap3A_382, %swap3A_383], %sub3A_380 {strides = array<i32>} : memref<4x128xi32, #tpu.memory_space<vmem>>, vector<16xi32>,
          %scan3A_385 = arith.constant 2 : i32
          %scan3A_386 = arith.addi %scan3A_344, %scan3A_385 : i32
          %mul3A_387 = arith.constant 16 : i32
          %mul3A_388 = arith.muli %scan3A_386, %mul3A_387 : i32
          %get3A_389 = arith.constant 0 : i32
          %get3A_390 = arith.index_cast %get3A_389 : i32 to index
          %get3A_391 = arith.index_cast %mul3A_388 : i32 to index
          %get3A_392 = tpu.vector_load %arg5[%get3A_390, %get3A_391] {strides = array<i32>} : memref<4x128xi32, #tpu.memory_space<vmem>>, vector<16xi32>,
          %ge3A_393 = arith.constant 512000 : i32
          %ge3A_394 = vector.broadcast %ge3A_393 : i32 to vector<16xi32>
          %ge3A_395 = arith.cmpi sge, %get3A_392, %ge3A_394 : vector<16xi32>
          %jit3A_396 = arith.constant 1 : i32
          %jit3A_397 = arith.constant 0 : i32
          %broadcast_in_dim3A_398 = vector.broadcast %jit3A_396 : i32 to vector<16xi32>
          %broadcast_in_dim3A_399 = vector.broadcast %jit3A_397 : i32 to vector<16xi32>
          %select_n3A_400 = arith.select %ge3A_395, %broadcast_in_dim3A_398, %broadcast_in_dim3A_399 : vector<16xi1>, vector<16xi32>
          %mul3A_401 = arith.constant 512000 : i32
          %mul3A_402 = vector.broadcast %mul3A_401 : i32 to vector<16xi32>
          %mul3A_403 = arith.muli %select_n3A_400, %mul3A_402 : vector<16xi32>
          %sub3A_404 = arith.subi %get3A_392, %mul3A_403 : vector<16xi32>
          %swap3A_405 = arith.constant 0 : i32
          %swap3A_406 = arith.index_cast %swap3A_405 : i32 to index
          %swap3A_407 = arith.index_cast %mul3A_388 : i32 to index
          %swap3A_408 = tpu.vector_load %arg5[%swap3A_406, %swap3A_407] {strides = array<i32>} : memref<4x128xi32, #tpu.memory_space<vmem>>, vector<16xi32>,
          tpu.vector_store %arg5[%swap3A_406, %swap3A_407], %sub3A_404 {strides = array<i32>} : memref<4x128xi32, #tpu.memory_space<vmem>>, vector<16xi32>,
          %scan3A_409 = arith.constant 3 : i32
          %scan3A_410 = arith.addi %scan3A_344, %scan3A_409 : i32
          %mul3A_411 = arith.constant 16 : i32
          %mul3A_412 = arith.muli %scan3A_410, %mul3A_411 : i32
          %get3A_413 = arith.constant 0 : i32
          %get3A_414 = arith.index_cast %get3A_413 : i32 to index
          %get3A_415 = arith.index_cast %mul3A_412 : i32 to index
          %get3A_416 = tpu.vector_load %arg5[%get3A_414, %get3A_415] {strides = array<i32>} : memref<4x128xi32, #tpu.memory_space<vmem>>, vector<16xi32>,
          %ge3A_417 = arith.constant 512000 : i32
          %ge3A_418 = vector.broadcast %ge3A_417 : i32 to vector<16xi32>
          %ge3A_419 = arith.cmpi sge, %get3A_416, %ge3A_418 : vector<16xi32>
          %jit3A_420 = arith.constant 1 : i32
          %jit3A_421 = arith.constant 0 : i32
          %broadcast_in_dim3A_422 = vector.broadcast %jit3A_420 : i32 to vector<16xi32>
          %broadcast_in_dim3A_423 = vector.broadcast %jit3A_421 : i32 to vector<16xi32>
          %select_n3A_424 = arith.select %ge3A_419, %broadcast_in_dim3A_422, %broadcast_in_dim3A_423 : vector<16xi1>, vector<16xi32>
          %mul3A_425 = arith.constant 512000 : i32
          %mul3A_426 = vector.broadcast %mul3A_425 : i32 to vector<16xi32>
          %mul3A_427 = arith.muli %select_n3A_424, %mul3A_426 : vector<16xi32>
          %sub3A_428 = arith.subi %get3A_416, %mul3A_427 : vector<16xi32>
          %swap3A_429 = arith.constant 0 : i32
          %swap3A_430 = arith.index_cast %swap3A_429 : i32 to index
          %swap3A_431 = arith.index_cast %mul3A_412 : i32 to index
          %swap3A_432 = tpu.vector_load %arg5[%swap3A_430, %swap3A_431] {strides = array<i32>} : memref<4x128xi32, #tpu.memory_space<vmem>>, vector<16xi32>,
          tpu.vector_store %arg5[%swap3A_430, %swap3A_431], %sub3A_428 {strides = array<i32>} : memref<4x128xi32, #tpu.memory_space<vmem>>, vector<16xi32>,
        }
        %scan3A_328 = arith.constant 8 : i32
        %dma_start3A_329 = arith.constant 0 : i32
        %dma_start3A_330 = arith.constant 0 : i32
        %dma_start3A_331 = arith.constant 0 : i32
        %dma_start3A_332 = arith.constant 0 : i32
        %dma_start3A_333 = arith.constant 0 : i32
        %dma_start3A_334 = tpu.memref_slice %arg6[%dma_start3A_330, %dma_start3A_332, %dma_start3A_333] : memref<4x128x128xf32, #tpu.memory_space<vmem>> -> memref<1x128x128xf32, #tpu.memory_space<vmem>>
        %dma_start3A_335 = tpu.memref_squeeze %dma_start3A_334 : memref<1x128x128xf32, #tpu.memory_space<vmem>> -> memref<128x128xf32, #tpu.memory_space<vmem>>
        %dma_start3A_336 = arith.constant 0 : i32
        %dma_start3A_337 = tpu.memref_slice %arg5[%dma_start3A_329, %dma_start3A_336] : memref<4x128xi32, #tpu.memory_space<vmem>> -> memref<1x128xi32, #tpu.memory_space<vmem>>
        %dma_start3A_338 = tpu.memref_squeeze %dma_start3A_337 : memref<1x128xi32, #tpu.memory_space<vmem>> -> memref<128xi32, #tpu.memory_space<vmem>>
        %dma_start3A_339 = arith.constant 0 : i32
        %dma_start3A_340 = arith.constant 0 : i32
        %dma_start3A_341 = tpu.memref_slice %arg3[%dma_start3A_339, %dma_start3A_340] : memref<512000x128xf32, #tpu.memory_space<hbm>> -> memref<512000x128xf32, #tpu.memory_space<hbm>>
        %dma_start3A_342 = tpu.memref_slice %arg7[%dma_start3A_331] : memref<4x!tpu.dma_semaphore, #tpu.memory_space<semaphore_mem>> -> memref<1x!tpu.dma_semaphore, #tpu.memory_space<semaphore_mem>>
        %dma_start3A_343 = tpu.memref_squeeze %dma_start3A_342 : memref<1x!tpu.dma_semaphore, #tpu.memory_space<semaphore_mem>> -> memref<!tpu.dma_semaphore, #tpu.memory_space<semaphore_mem>>
        tpu.enqueue_indirect_dma source(%dma_start3A_341 : memref<512000x128xf32, #tpu.memory_space<hbm>>) target(%dma_start3A_335 : memref<128x128xf32, #tpu.memory_space<vmem>>) offsets(%dma_start3A_338 : memref<128xi32, #tpu.memory_space<vmem>>) semaphore(%dma_start3A_343 : memref<!tpu.dma_semaphore, #tpu.memory_space<semaphore_mem>>)
      } else {
      }
      %dma_wait3A_283 = arith.constant 3 : i32
      %dma_wait3A_284 = arith.constant 3 : i32
      %dma_wait3A_285 = arith.constant 3 : i32
      %dma_wait3A_286 = arith.constant 0 : i32
      %dma_wait3A_287 = arith.constant 0 : i32
      %dma_wait3A_288 = tpu.memref_slice %arg6[%dma_wait3A_284, %dma_wait3A_286, %dma_wait3A_287] : memref<4x128x128xf32, #tpu.memory_space<vmem>> -> memref<1x128x128xf32, #tpu.memory_space<vmem>>
      %dma_wait3A_289 = tpu.memref_squeeze %dma_wait3A_288 : memref<1x128x128xf32, #tpu.memory_space<vmem>> -> memref<128x128xf32, #tpu.memory_space<vmem>>
      %dma_wait3A_290 = arith.constant 0 : i32
      %dma_wait3A_291 = tpu.memref_slice %arg5[%dma_wait3A_283, %dma_wait3A_290] : memref<4x128xi32, #tpu.memory_space<vmem>> -> memref<1x128xi32, #tpu.memory_space<vmem>>
      %dma_wait3A_292 = tpu.memref_squeeze %dma_wait3A_291 : memref<1x128xi32, #tpu.memory_space<vmem>> -> memref<128xi32, #tpu.memory_space<vmem>>
      %dma_wait3A_293 = arith.constant 0 : i32
      %dma_wait3A_294 = arith.constant 0 : i32
      %dma_wait3A_295 = tpu.memref_slice %arg3[%dma_wait3A_293, %dma_wait3A_294] : memref<512000x128xf32, #tpu.memory_space<hbm>> -> memref<512000x128xf32, #tpu.memory_space<hbm>>
      %dma_wait3A_296 = tpu.memref_slice %arg7[%dma_wait3A_285] : memref<4x!tpu.dma_semaphore, #tpu.memory_space<semaphore_mem>> -> memref<1x!tpu.dma_semaphore, #tpu.memory_space<semaphore_mem>>
      %dma_wait3A_297 = tpu.memref_squeeze %dma_wait3A_296 : memref<1x!tpu.dma_semaphore, #tpu.memory_space<semaphore_mem>> -> memref<!tpu.dma_semaphore, #tpu.memory_space<semaphore_mem>>
      tpu.wait_indirect_dma semaphore(%dma_wait3A_297 : memref<!tpu.dma_semaphore, #tpu.memory_space<semaphore_mem>>) src(%dma_wait3A_295 : memref<512000x128xf32, #tpu.memory_space<hbm>>) dst(%dma_wait3A_289 : memref<128x128xf32, #tpu.memory_space<vmem>>)
      %mul3A_298 = arith.constant 128 : i32
      %mul3A_299 = arith.muli %add3A_265, %mul3A_298 : i32
      %add3A_300 = arith.addi %mul3A_2, %mul3A_299 : i32
      %dma_start3A_301 = arith.constant 3 : i32
      %dma_start3A_302 = arith.constant 3 : i32
      %dma_start3A_303 = arith.constant 0 : i32
      %dma_start3A_304 = arith.constant 0 : i32
      %dma_start3A_305 = tpu.memref_slice %arg6[%dma_start3A_301, %dma_start3A_303, %dma_start3A_304] : memref<4x128x128xf32, #tpu.memory_space<vmem>> -> memref<1x128x128xf32, #tpu.memory_space<vmem>>
      %dma_start3A_306 = tpu.memref_squeeze %dma_start3A_305 : memref<1x128x128xf32, #tpu.memory_space<vmem>> -> memref<128x128xf32, #tpu.memory_space<vmem>>
      %dma_start3A_307 = arith.constant 0 : i32
      %dma_start3A_308 = tpu.memref_slice %arg4[%add3A_300, %dma_start3A_307] : memref<524288x128xf32, #tpu.memory_space<hbm>> -> memref<128x128xf32, #tpu.memory_space<hbm>>
      %dma_start3A_309 = tpu.memref_slice %arg8[%dma_start3A_302] : memref<4x!tpu.dma_semaphore, #tpu.memory_space<semaphore_mem>> -> memref<1x!tpu.dma_semaphore, #tpu.memory_space<semaphore_mem>>
      %dma_start3A_310 = tpu.memref_squeeze %dma_start3A_309 : memref<1x!tpu.dma_semaphore, #tpu.memory_space<semaphore_mem>> -> memref<!tpu.dma_semaphore, #tpu.memory_space<semaphore_mem>>
      %dma_start3A_311 = arith.constant 0 : i32
      %dma_start3A_312 = tpu.memref_slice %arg4[%add3A_300, %dma_start3A_311] : memref<524288x128xf32, #tpu.memory_space<hbm>> -> memref<128x128xf32, #tpu.memory_space<hbm>>
      %dma_start3A_313 = arith.constant 0 : i32
      %dma_start3A_314 = arith.constant 0 : i32
      %dma_start3A_315 = tpu.memref_slice %arg6[%dma_start3A_301, %dma_start3A_313, %dma_start3A_314] : memref<4x128x128xf32, #tpu.memory_space<vmem>> -> memref<1x128x128xf32, #tpu.memory_space<vmem>>
      %dma_start3A_316 = tpu.memref_squeeze %dma_start3A_315 : memref<1x128x128xf32, #tpu.memory_space<vmem>> -> memref<128x128xf32, #tpu.memory_space<vmem>>
      tpu.enqueue_dma source(%dma_start3A_316 : memref<128x128xf32, #tpu.memory_space<vmem>>) target(%dma_start3A_312 : memref<128x128xf32, #tpu.memory_space<hbm>>) target_semaphore(%dma_start3A_310 : memref<!tpu.dma_semaphore, #tpu.memory_space<semaphore_mem>>)
    }
    %scan3A_29 = arith.constant 32 : i32
    %add3A_30 = arith.constant 15872 : i32
    %add3A_31 = arith.addi %mul3A_2, %add3A_30 : i32
    %dma_wait3A = arith.constant 0 : i32
    %dma_wait3A_32 = arith.constant 0 : i32
    %dma_wait3A_33 = arith.constant 0 : i32
    %dma_wait3A_34 = arith.constant 0 : i32
    %dma_wait3A_35 = tpu.memref_slice %arg6[%dma_wait3A, %dma_wait3A_33, %dma_wait3A_34] : memref<4x128x128xf32, #tpu.memory_space<vmem>> -> memref<1x128x128xf32, #tpu.memory_space<vmem>>
    %dma_wait3A_36 = tpu.memref_squeeze %dma_wait3A_35 : memref<1x128x128xf32, #tpu.memory_space<vmem>> -> memref<128x128xf32, #tpu.memory_space<vmem>>
    %dma_wait3A_37 = arith.constant 0 : i32
    %dma_wait3A_38 = tpu.memref_slice %arg4[%add3A_31, %dma_wait3A_37] : memref<524288x128xf32, #tpu.memory_space<hbm>> -> memref<128x128xf32, #tpu.memory_space<hbm>>
    %dma_wait3A_39 = tpu.memref_slice %arg8[%dma_wait3A_32] : memref<4x!tpu.dma_semaphore, #tpu.memory_space<semaphore_mem>> -> memref<1x!tpu.dma_semaphore, #tpu.memory_space<semaphore_mem>>
    %dma_wait3A_40 = tpu.memref_squeeze %dma_wait3A_39 : memref<1x!tpu.dma_semaphore, #tpu.memory_space<semaphore_mem>> -> memref<!tpu.dma_semaphore, #tpu.memory_space<semaphore_mem>>
    %dma_wait3A_41 = arith.constant 0 : i32
    %dma_wait3A_42 = tpu.memref_slice %arg4[%add3A_31, %dma_wait3A_41] : memref<524288x128xf32, #tpu.memory_space<hbm>> -> memref<128x128xf32, #tpu.memory_space<hbm>>
    %dma_wait3A_43 = arith.constant 0 : i32
    %dma_wait3A_44 = arith.constant 0 : i32
    %dma_wait3A_45 = tpu.memref_slice %arg6[%dma_wait3A, %dma_wait3A_43, %dma_wait3A_44] : memref<4x128x128xf32, #tpu.memory_space<vmem>> -> memref<1x128x128xf32, #tpu.memory_space<vmem>>
    %dma_wait3A_46 = tpu.memref_squeeze %dma_wait3A_45 : memref<1x128x128xf32, #tpu.memory_space<vmem>> -> memref<128x128xf32, #tpu.memory_space<vmem>>
    tpu.wait_dma2 semaphore(%dma_wait3A_40 : memref<!tpu.dma_semaphore, #tpu.memory_space<semaphore_mem>>) src(%dma_wait3A_46 : memref<128x128xf32, #tpu.memory_space<vmem>>) dst(%dma_wait3A_42 : memref<128x128xf32, #tpu.memory_space<hbm>>)
    %add3A_47 = arith.constant 16000 : i32
    %add3A_48 = arith.addi %mul3A_2, %add3A_47 : i32
    %dma_wait3A_49 = arith.constant 1 : i32
    %dma_wait3A_50 = arith.constant 1 : i32
    %dma_wait3A_51 = arith.constant 0 : i32
    %dma_wait3A_52 = arith.constant 0 : i32
    %dma_wait3A_53 = tpu.memref_slice %arg6[%dma_wait3A_49, %dma_wait3A_51, %dma_wait3A_52] : memref<4x128x128xf32, #tpu.memory_space<vmem>> -> memref<1x128x128xf32, #tpu.memory_space<vmem>>
    %dma_wait3A_54 = tpu.memref_squeeze %dma_wait3A_53 : memref<1x128x128xf32, #tpu.memory_space<vmem>> -> memref<128x128xf32, #tpu.memory_space<vmem>>
    %dma_wait3A_55 = arith.constant 0 : i32
    %dma_wait3A_56 = tpu.memref_slice %arg4[%add3A_48, %dma_wait3A_55] : memref<524288x128xf32, #tpu.memory_space<hbm>> -> memref<128x128xf32, #tpu.memory_space<hbm>>
    %dma_wait3A_57 = tpu.memref_slice %arg8[%dma_wait3A_50] : memref<4x!tpu.dma_semaphore, #tpu.memory_space<semaphore_mem>> -> memref<1x!tpu.dma_semaphore, #tpu.memory_space<semaphore_mem>>
    %dma_wait3A_58 = tpu.memref_squeeze %dma_wait3A_57 : memref<1x!tpu.dma_semaphore, #tpu.memory_space<semaphore_mem>> -> memref<!tpu.dma_semaphore, #tpu.memory_space<semaphore_mem>>
    %dma_wait3A_59 = arith.constant 0 : i32
    %dma_wait3A_60 = tpu.memref_slice %arg4[%add3A_48, %dma_wait3A_59] : memref<524288x128xf32, #tpu.memory_space<hbm>> -> memref<128x128xf32, #tpu.memory_space<hbm>>
    %dma_wait3A_61 = arith.constant 0 : i32
    %dma_wait3A_62 = arith.constant 0 : i32
    %dma_wait3A_63 = tpu.memref_slice %arg6[%dma_wait3A_49, %dma_wait3A_61, %dma_wait3A_62] : memref<4x128x128xf32, #tpu.memory_space<vmem>> -> memref<1x128x128xf32, #tpu.memory_space<vmem>>
    %dma_wait3A_64 = tpu.memref_squeeze %dma_wait3A_63 : memref<1x128x128xf32, #tpu.memory_space<vmem>> -> memref<128x128xf32, #tpu.memory_space<vmem>>
    tpu.wait_dma2 semaphore(%dma_wait3A_58 : memref<!tpu.dma_semaphore, #tpu.memory_space<semaphore_mem>>) src(%dma_wait3A_64 : memref<128x128xf32, #tpu.memory_space<vmem>>) dst(%dma_wait3A_60 : memref<128x128xf32, #tpu.memory_space<hbm>>)
    %add3A_65 = arith.constant 16128 : i32
    %add3A_66 = arith.addi %mul3A_2, %add3A_65 : i32
    %dma_wait3A_67 = arith.constant 2 : i32
    %dma_wait3A_68 = arith.constant 2 : i32
    %dma_wait3A_69 = arith.constant 0 : i32
    %dma_wait3A_70 = arith.constant 0 : i32
    %dma_wait3A_71 = tpu.memref_slice %arg6[%dma_wait3A_67, %dma_wait3A_69, %dma_wait3A_70] : memref<4x128x128xf32, #tpu.memory_space<vmem>> -> memref<1x128x128xf32, #tpu.memory_space<vmem>>
    %dma_wait3A_72 = tpu.memref_squeeze %dma_wait3A_71 : memref<1x128x128xf32, #tpu.memory_space<vmem>> -> memref<128x128xf32, #tpu.memory_space<vmem>>
    %dma_wait3A_73 = arith.constant 0 : i32
    %dma_wait3A_74 = tpu.memref_slice %arg4[%add3A_66, %dma_wait3A_73] : memref<524288x128xf32, #tpu.memory_space<hbm>> -> memref<128x128xf32, #tpu.memory_space<hbm>>
    %dma_wait3A_75 = tpu.memref_slice %arg8[%dma_wait3A_68] : memref<4x!tpu.dma_semaphore, #tpu.memory_space<semaphore_mem>> -> memref<1x!tpu.dma_semaphore, #tpu.memory_space<semaphore_mem>>
    %dma_wait3A_76 = tpu.memref_squeeze %dma_wait3A_75 : memref<1x!tpu.dma_semaphore, #tpu.memory_space<semaphore_mem>> -> memref<!tpu.dma_semaphore, #tpu.memory_space<semaphore_mem>>
    %dma_wait3A_77 = arith.constant 0 : i32
    %dma_wait3A_78 = tpu.memref_slice %arg4[%add3A_66, %dma_wait3A_77] : memref<524288x128xf32, #tpu.memory_space<hbm>> -> memref<128x128xf32, #tpu.memory_space<hbm>>
    %dma_wait3A_79 = arith.constant 0 : i32
    %dma_wait3A_80 = arith.constant 0 : i32
    %dma_wait3A_81 = tpu.memref_slice %arg6[%dma_wait3A_67, %dma_wait3A_79, %dma_wait3A_80] : memref<4x128x128xf32, #tpu.memory_space<vmem>> -> memref<1x128x128xf32, #tpu.memory_space<vmem>>
    %dma_wait3A_82 = tpu.memref_squeeze %dma_wait3A_81 : memref<1x128x128xf32, #tpu.memory_space<vmem>> -> memref<128x128xf32, #tpu.memory_space<vmem>>
    tpu.wait_dma2 semaphore(%dma_wait3A_76 : memref<!tpu.dma_semaphore, #tpu.memory_space<semaphore_mem>>) src(%dma_wait3A_82 : memref<128x128xf32, #tpu.memory_space<vmem>>) dst(%dma_wait3A_78 : memref<128x128xf32, #tpu.memory_space<hbm>>)
    %add3A_83 = arith.constant 16256 : i32
    %add3A_84 = arith.addi %mul3A_2, %add3A_83 : i32
    %dma_wait3A_85 = arith.constant 3 : i32
    %dma_wait3A_86 = arith.constant 3 : i32
    %dma_wait3A_87 = arith.constant 0 : i32
    %dma_wait3A_88 = arith.constant 0 : i32
    %dma_wait3A_89 = tpu.memref_slice %arg6[%dma_wait3A_85, %dma_wait3A_87, %dma_wait3A_88] : memref<4x128x128xf32, #tpu.memory_space<vmem>> -> memref<1x128x128xf32, #tpu.memory_space<vmem>>
    %dma_wait3A_90 = tpu.memref_squeeze %dma_wait3A_89 : memref<1x128x128xf32, #tpu.memory_space<vmem>> -> memref<128x128xf32, #tpu.memory_space<vmem>>
    %dma_wait3A_91 = arith.constant 0 : i32
    %dma_wait3A_92 = tpu.memref_slice %arg4[%add3A_84, %dma_wait3A_91] : memref<524288x128xf32, #tpu.memory_space<hbm>> -> memref<128x128xf32, #tpu.memory_space<hbm>>
    %dma_wait3A_93 = tpu.memref_slice %arg8[%dma_wait3A_86] : memref<4x!tpu.dma_semaphore, #tpu.memory_space<semaphore_mem>> -> memref<1x!tpu.dma_semaphore, #tpu.memory_space<semaphore_mem>>
    %dma_wait3A_94 = tpu.memref_squeeze %dma_wait3A_93 : memref<1x!tpu.dma_semaphore, #tpu.memory_space<semaphore_mem>> -> memref<!tpu.dma_semaphore, #tpu.memory_space<semaphore_mem>>
    %dma_wait3A_95 = arith.constant 0 : i32
    %dma_wait3A_96 = tpu.memref_slice %arg4[%add3A_84, %dma_wait3A_95] : memref<524288x128xf32, #tpu.memory_space<hbm>> -> memref<128x128xf32, #tpu.memory_space<hbm>>
    %dma_wait3A_97 = arith.constant 0 : i32
    %dma_wait3A_98 = arith.constant 0 : i32
    %dma_wait3A_99 = tpu.memref_slice %arg6[%dma_wait3A_85, %dma_wait3A_97, %dma_wait3A_98] : memref<4x128x128xf32, #tpu.memory_space<vmem>> -> memref<1x128x128xf32, #tpu.memory_space<vmem>>
    %dma_wait3A_100 = tpu.memref_squeeze %dma_wait3A_99 : memref<1x128x128xf32, #tpu.memory_space<vmem>> -> memref<128x128xf32, #tpu.memory_space<vmem>>
    tpu.wait_dma2 semaphore(%dma_wait3A_94 : memref<!tpu.dma_semaphore, #tpu.memory_space<semaphore_mem>>) src(%dma_wait3A_100 : memref<128x128xf32, #tpu.memory_space<vmem>>) dst(%dma_wait3A_96 : memref<128x128xf32, #tpu.memory_space<hbm>>)
    return
  }
}

module attributes {stable_mosaic.version = 14 : i64} {
  func.func @_pair_body(%arg0: i32, %arg1: memref<64x4096xf32, #tpu.memory_space<vmem>>, %arg2: memref<64x4096xf32, #tpu.memory_space<vmem>>, %arg3: memref<4096x128xf32, #tpu.memory_space<vmem>>) attributes {dimension_semantics = [#tpu.dimension_semantics<arbitrary>], iteration_bounds = array<i64: 125>, scalar_prefetch = 0 : i64, scratch_operands = 0 : i64, tpu.core_type = #tpu.core_type<tc>, window_params = [{transform_indices = @transform_0, window_bounds = array<i64: 64, 4096>}, {transform_indices = @transform_1, window_bounds = array<i64: 64, 4096>}, {transform_indices = @transform_2, window_bounds = array<i64: 4096, 128>}]} {
    %get3A = arith.constant 0 : index
    %get3A_0 = arith.constant 0 : index
    %get3A_1 = vector.load %arg1[%get3A, %get3A_0] : memref<64x4096xf32, #tpu.memory_space<vmem>>, vector<64x4096xf32>
    %transpose3A = tpu.transpose %get3A_1, [1, 0] : vector<64x4096xf32> -> vector<4096x64xf32>
    %get3A_2 = arith.constant 0 : index
    %get3A_3 = arith.constant 0 : index
    %get3A_4 = vector.load %arg2[%get3A_2, %get3A_3] : memref<64x4096xf32, #tpu.memory_space<vmem>>, vector<64x4096xf32>
    %transpose3A_5 = tpu.transpose %get3A_4, [1, 0] : vector<64x4096xf32> -> vector<4096x64xf32>
    %concatenate3A = tpu.concatenate %transpose3A, %transpose3A_5 in 1 : vector<4096x64xf32>, vector<4096x64xf32> -> vector<4096x128xf32>
    %swap3A = arith.constant 0 : index
    %swap3A_6 = arith.constant 0 : index
    %swap3A_7 = vector.load %arg3[%swap3A, %swap3A_6] : memref<4096x128xf32, #tpu.memory_space<vmem>>, vector<4096x128xf32>
    tpu.vector_store %arg3[%swap3A, %swap3A_6], %concatenate3A {strides = array<i32>} : memref<4096x128xf32, #tpu.memory_space<vmem>>, vector<4096x128xf32>,
    return
  }
  func.func @transform_0(%arg0: i32) -> (i32, i32) {
    %c0_i32 = arith.constant 0 : i32
    %c0_i32_0 = arith.constant 0 : i32
    return %c0_i32, %arg0 : i32, i32
  }
  func.func @transform_1(%arg0: i32) -> (i32, i32) {
    %add3A = arith.constant 125 : i32
    %add3A_0 = arith.addi %arg0, %add3A : i32
    %min3A = arith.constant 244 : i32
    %min3A_1 = arith.minsi %add3A_0, %min3A : i32
    %c0_i32 = arith.constant 0 : i32
    %c0_i32_2 = arith.constant 0 : i32
    return %c0_i32, %min3A_1 : i32, i32
  }
  func.func @transform_2(%arg0: i32) -> (i32, i32) {
    %c0_i32 = arith.constant 0 : i32
    %c0_i32_0 = arith.constant 0 : i32
    return %arg0, %c0_i32 : i32, i32
  }
}

module attributes {stable_mosaic.version = 14 : i64} {
  func.func @_finish_body(%arg0: i32, %arg1: memref<8x512x128xf32, #tpu.memory_space<vmem>>, %arg2: memref<8x512xi32, #tpu.memory_space<vmem>>, %arg3: memref<8x512xi32, #tpu.memory_space<vmem>>, %arg4: memref<512x64xf32, #tpu.memory_space<vmem>>, %arg5: memref<3x64xf32, #tpu.memory_space<vmem>>, %arg6: memref<64xf32, #tpu.memory_space<vmem>>, %arg7: memref<64xf32, #tpu.memory_space<vmem>>, %arg8: memref<8x512x64xf32, #tpu.memory_space<vmem>>) attributes {dimension_semantics = [#tpu.dimension_semantics<arbitrary>], iteration_bounds = array<i64: 128>, scalar_prefetch = 0 : i64, scratch_operands = 0 : i64, tpu.core_type = #tpu.core_type<tc>, window_params = [{transform_indices = @transform_0, window_bounds = array<i64: 8, 512, 128>}, {transform_indices = @transform_1, window_bounds = array<i64: 8, 512>}, {transform_indices = @transform_2, window_bounds = array<i64: 8, 512>}, {pipeline_mode = #tpu.pipeline_mode<synchronous>, transform_indices = @transform_3, window_bounds = array<i64: 512, 64>}, {pipeline_mode = #tpu.pipeline_mode<synchronous>, transform_indices = @transform_4, window_bounds = array<i64: 3, 64>}, {pipeline_mode = #tpu.pipeline_mode<synchronous>, transform_indices = @transform_5, window_bounds = array<i64: 64>}, {pipeline_mode = #tpu.pipeline_mode<synchronous>, transform_indices = @transform_6, window_bounds = array<i64: 64>}, {transform_indices = @transform_7, window_bounds = array<i64: 8, 512, 64>}]} {
    %get3A = arith.constant 0 : index
    %get3A_0 = arith.constant 0 : index
    %get3A_1 = arith.constant 0 : index
    %get3A_2 = vector.load %arg1[%get3A, %get3A_0, %get3A_1] : memref<8x512x128xf32, #tpu.memory_space<vmem>>, vector<8x512x128xf32>
    %get3A_3 = arith.constant 0 : index
    %get3A_4 = arith.constant 0 : index
    %get3A_5 = vector.load %arg2[%get3A_3, %get3A_4] : memref<8x512xi32, #tpu.memory_space<vmem>>, vector<8x512xi32>
    %ge3A = arith.constant 512000 : i32
    %ge3A_6 = vector.broadcast %ge3A : i32 to vector<8x512xi32>
    %ge3A_7 = arith.cmpi sge, %get3A_5, %ge3A_6 : vector<8x512xi32>
    %convert_element_type3A = arith.extui %ge3A_7 : vector<8x512xi1> to vector<8x512xi32>
    %convert_element_type3A_8 = arith.sitofp %convert_element_type3A : vector<8x512xi32> to vector<8x512xf32>
    %broadcast_in_dim3A = vector.shape_cast %convert_element_type3A_8 : vector<8x512xf32> to vector<8x512x1xf32>
    %slice3A = vector.extract_strided_slice %get3A_2 {offsets = [0, 0, 0], sizes = [8, 512, 64], strides = [1, 1, 1]} : vector<8x512x128xf32> to vector<8x512x64xf32>
    %slice3A_9 = vector.extract_strided_slice %get3A_2 {offsets = [0, 0, 64], sizes = [8, 512, 64], strides = [1, 1, 1]} : vector<8x512x128xf32> to vector<8x512x64xf32>
    %sub3A = arith.subf %slice3A_9, %slice3A : vector<8x512x64xf32>
    %mul3A = vector.broadcast %broadcast_in_dim3A : vector<8x512x1xf32> to vector<8x512x64xf32>
    %mul3A_10 = arith.mulf %mul3A, %sub3A : vector<8x512x64xf32>
    %add3A = arith.addf %slice3A, %mul3A_10 : vector<8x512x64xf32>
    %get3A_11 = arith.constant 0 : index
    %get3A_12 = arith.constant 0 : index
    %get3A_13 = vector.load %arg5[%get3A_11, %get3A_12] : memref<3x64xf32, #tpu.memory_space<vmem>>, vector<3x64xf32>
    %get3A_14 = arith.constant 0 : index
    %get3A_15 = arith.constant 0 : index
    %get3A_16 = vector.load %arg3[%get3A_14, %get3A_15] : memref<8x512xi32, #tpu.memory_space<vmem>>, vector<8x512xi32>
    %ge3A_17 = arith.constant 1 : i32
    %ge3A_18 = vector.broadcast %ge3A_17 : i32 to vector<8x512xi32>
    %ge3A_19 = arith.cmpi sge, %get3A_16, %ge3A_18 : vector<8x512xi32>
    %convert_element_type3A_20 = arith.extui %ge3A_19 : vector<8x512xi1> to vector<8x512xi32>
    %convert_element_type3A_21 = arith.sitofp %convert_element_type3A_20 : vector<8x512xi32> to vector<8x512xf32>
    %broadcast_in_dim3A_22 = vector.shape_cast %convert_element_type3A_21 : vector<8x512xf32> to vector<8x512x1xf32>
    %get3A_23 = arith.constant 0 : index
    %get3A_24 = arith.constant 0 : index
    %get3A_25 = vector.load %arg3[%get3A_23, %get3A_24] : memref<8x512xi32, #tpu.memory_space<vmem>>, vector<8x512xi32>
    %ge3A_26 = arith.constant 2 : i32
    %ge3A_27 = vector.broadcast %ge3A_26 : i32 to vector<8x512xi32>
    %ge3A_28 = arith.cmpi sge, %get3A_25, %ge3A_27 : vector<8x512xi32>
    %convert_element_type3A_29 = arith.extui %ge3A_28 : vector<8x512xi1> to vector<8x512xi32>
    %convert_element_type3A_30 = arith.sitofp %convert_element_type3A_29 : vector<8x512xi32> to vector<8x512xf32>
    %broadcast_in_dim3A_31 = vector.shape_cast %convert_element_type3A_30 : vector<8x512xf32> to vector<8x512x1xf32>
    %slice3A_32 = vector.extract_strided_slice %get3A_13 {offsets = [0, 0], sizes = [1, 64], strides = [1, 1]} : vector<3x64xf32> to vector<1x64xf32>
    %squeeze3A = vector.shape_cast %slice3A_32 : vector<1x64xf32> to vector<64xf32>
    %slice3A_33 = vector.extract_strided_slice %get3A_13 {offsets = [1, 0], sizes = [1, 64], strides = [1, 1]} : vector<3x64xf32> to vector<1x64xf32>
    %squeeze3A_34 = vector.shape_cast %slice3A_33 : vector<1x64xf32> to vector<64xf32>
    %slice3A_35 = vector.extract_strided_slice %get3A_13 {offsets = [0, 0], sizes = [1, 64], strides = [1, 1]} : vector<3x64xf32> to vector<1x64xf32>
    %squeeze3A_36 = vector.shape_cast %slice3A_35 : vector<1x64xf32> to vector<64xf32>
    %sub3A_37 = arith.subf %squeeze3A_34, %squeeze3A_36 : vector<64xf32>
    %broadcast_in_dim3A_38 = vector.shape_cast %sub3A_37 : vector<64xf32> to vector<1x1x64xf32>
    %mul3A_39 = vector.broadcast %broadcast_in_dim3A_22 : vector<8x512x1xf32> to vector<8x512x64xf32>
    %mul3A_40 = vector.broadcast %broadcast_in_dim3A_38 : vector<1x1x64xf32> to vector<8x512x64xf32>
    %mul3A_41 = arith.mulf %mul3A_39, %mul3A_40 : vector<8x512x64xf32>
    %broadcast_in_dim3A_42 = vector.shape_cast %squeeze3A : vector<64xf32> to vector<1x1x64xf32>
    %add3A_43 = vector.broadcast %broadcast_in_dim3A_42 : vector<1x1x64xf32> to vector<8x512x64xf32>
    %add3A_44 = arith.addf %add3A_43, %mul3A_41 : vector<8x512x64xf32>
    %slice3A_45 = vector.extract_strided_slice %get3A_13 {offsets = [2, 0], sizes = [1, 64], strides = [1, 1]} : vector<3x64xf32> to vector<1x64xf32>
    %squeeze3A_46 = vector.shape_cast %slice3A_45 : vector<1x64xf32> to vector<64xf32>
    %slice3A_47 = vector.extract_strided_slice %get3A_13 {offsets = [1, 0], sizes = [1, 64], strides = [1, 1]} : vector<3x64xf32> to vector<1x64xf32>
    %squeeze3A_48 = vector.shape_cast %slice3A_47 : vector<1x64xf32> to vector<64xf32>
    %sub3A_49 = arith.subf %squeeze3A_46, %squeeze3A_48 : vector<64xf32>
    %broadcast_in_dim3A_50 = vector.shape_cast %sub3A_49 : vector<64xf32> to vector<1x1x64xf32>
    %mul3A_51 = vector.broadcast %broadcast_in_dim3A_31 : vector<8x512x1xf32> to vector<8x512x64xf32>
    %mul3A_52 = vector.broadcast %broadcast_in_dim3A_50 : vector<1x1x64xf32> to vector<8x512x64xf32>
    %mul3A_53 = arith.mulf %mul3A_51, %mul3A_52 : vector<8x512x64xf32>
    %add3A_54 = arith.addf %add3A_44, %mul3A_53 : vector<8x512x64xf32>
    %get3A_55 = arith.constant 0 : index
    %get3A_56 = arith.constant 0 : index
    %get3A_57 = vector.load %arg4[%get3A_55, %get3A_56] : memref<512x64xf32, #tpu.memory_space<vmem>>, vector<512x64xf32>
    %broadcast_in_dim3A_58 = vector.shape_cast %get3A_57 : vector<512x64xf32> to vector<1x512x64xf32>
    %add3A_59 = vector.broadcast %broadcast_in_dim3A_58 : vector<1x512x64xf32> to vector<8x512x64xf32>
    %add3A_60 = arith.addf %add3A, %add3A_59 : vector<8x512x64xf32>
    %add3A_61 = arith.addf %add3A_60, %add3A_54 : vector<8x512x64xf32>
    %reduce_sum3A = arith.constant dense<0.000000e+00> : vector<8x512xf32>
    %reduce_sum3A_62 = vector.multi_reduction <add>, %add3A_61, %reduce_sum3A [2] : vector<8x512x64xf32> to vector<8x512xf32>
    %broadcast_in_dim3A_63 = vector.shape_cast %reduce_sum3A_62 : vector<8x512xf32> to vector<8x512x1xf32>
    %div3A = arith.constant 6.400000e+01 : f32
    %div3A_64 = vector.broadcast %div3A : f32 to vector<8x512x1xf32>
    %div3A_65 = arith.divf %broadcast_in_dim3A_63, %div3A_64 : vector<8x512x1xf32>
    %sub3A_66 = vector.broadcast %div3A_65 : vector<8x512x1xf32> to vector<8x512x64xf32>
    %sub3A_67 = arith.subf %add3A_61, %sub3A_66 : vector<8x512x64xf32>
    %integer_pow3A = arith.mulf %sub3A_67, %sub3A_67 : vector<8x512x64xf32>
    %reduce_sum3A_68 = arith.constant dense<0.000000e+00> : vector<8x512xf32>
    %reduce_sum3A_69 = vector.multi_reduction <add>, %integer_pow3A, %reduce_sum3A_68 [2] : vector<8x512x64xf32> to vector<8x512xf32>
    %broadcast_in_dim3A_70 = vector.shape_cast %reduce_sum3A_69 : vector<8x512xf32> to vector<8x512x1xf32>
    %div3A_71 = arith.constant 6.400000e+01 : f32
    %div3A_72 = vector.broadcast %div3A_71 : f32 to vector<8x512x1xf32>
    %div3A_73 = arith.divf %broadcast_in_dim3A_70, %div3A_72 : vector<8x512x1xf32>
    %sub3A_74 = vector.broadcast %div3A_65 : vector<8x512x1xf32> to vector<8x512x64xf32>
    %sub3A_75 = arith.subf %add3A_61, %sub3A_74 : vector<8x512x64xf32>
    %add3A_76 = arith.constant 9.99999997E-7 : f32
    %add3A_77 = vector.broadcast %add3A_76 : f32 to vector<8x512x1xf32>
    %add3A_78 = arith.addf %div3A_73, %add3A_77 : vector<8x512x1xf32>
    %rsqrt3A = math.rsqrt %add3A_78 : vector<8x512x1xf32>
    %mul3A_79 = vector.broadcast %rsqrt3A : vector<8x512x1xf32> to vector<8x512x64xf32>
    %mul3A_80 = arith.mulf %sub3A_75, %mul3A_79 : vector<8x512x64xf32>
    %get3A_81 = arith.constant 0 : index
    %get3A_82 = vector.load %arg6[%get3A_81] : memref<64xf32, #tpu.memory_space<vmem>>, vector<64xf32>
    %broadcast_in_dim3A_83 = vector.shape_cast %get3A_82 : vector<64xf32> to vector<1x1x64xf32>
    %mul3A_84 = vector.broadcast %broadcast_in_dim3A_83 : vector<1x1x64xf32> to vector<8x512x64xf32>
    %mul3A_85 = arith.mulf %mul3A_80, %mul3A_84 : vector<8x512x64xf32>
    %get3A_86 = arith.constant 0 : index
    %get3A_87 = vector.load %arg7[%get3A_86] : memref<64xf32, #tpu.memory_space<vmem>>, vector<64xf32>
    %broadcast_in_dim3A_88 = vector.shape_cast %get3A_87 : vector<64xf32> to vector<1x1x64xf32>
    %add3A_89 = vector.broadcast %broadcast_in_dim3A_88 : vector<1x1x64xf32> to vector<8x512x64xf32>
    %add3A_90 = arith.addf %mul3A_85, %add3A_89 : vector<8x512x64xf32>
    %swap3A = arith.constant 0 : index
    %swap3A_91 = arith.constant 0 : index
    %swap3A_92 = arith.constant 0 : index
    %swap3A_93 = vector.load %arg8[%swap3A, %swap3A_91, %swap3A_92] : memref<8x512x64xf32, #tpu.memory_space<vmem>>, vector<8x512x64xf32>
    tpu.vector_store %arg8[%swap3A, %swap3A_91, %swap3A_92], %add3A_90 {strides = array<i32>} : memref<8x512x64xf32, #tpu.memory_space<vmem>>, vector<8x512x64xf32>,
    return
  }
  func.func @transform_0(%arg0: i32) -> (i32, i32, i32) {
    %c0_i32 = arith.constant 0 : i32
    %c0_i32_0 = arith.constant 0 : i32
    %c0_i32_1 = arith.constant 0 : i32
    return %arg0, %c0_i32, %c0_i32_0 : i32, i32, i32
  }
  func.func @transform_1(%arg0: i32) -> (i32, i32) {
    %c0_i32 = arith.constant 0 : i32
    %c0_i32_0 = arith.constant 0 : i32
    return %arg0, %c0_i32 : i32, i32
  }
  func.func @transform_2(%arg0: i32) -> (i32, i32) {
    %c0_i32 = arith.constant 0 : i32
    %c0_i32_0 = arith.constant 0 : i32
    return %arg0, %c0_i32 : i32, i32
  }
  func.func @transform_3(%arg0: i32) -> (i32, i32) {
    %c0_i32 = arith.constant 0 : i32
    %c0_i32_0 = arith.constant 0 : i32
    %c0_i32_1 = arith.constant 0 : i32
    return %c0_i32, %c0_i32_0 : i32, i32
  }
  func.func @transform_4(%arg0: i32) -> (i32, i32) {
    %c0_i32 = arith.constant 0 : i32
    %c0_i32_0 = arith.constant 0 : i32
    %c0_i32_1 = arith.constant 0 : i32
    return %c0_i32, %c0_i32_0 : i32, i32
  }
  func.func @transform_5(%arg0: i32) -> i32 {
    %c0_i32 = arith.constant 0 : i32
    %c0_i32_0 = arith.constant 0 : i32
    return %c0_i32 : i32
  }
  func.func @transform_6(%arg0: i32) -> i32 {
    %c0_i32 = arith.constant 0 : i32
    %c0_i32_0 = arith.constant 0 : i32
    return %c0_i32 : i32
  }
  func.func @transform_7(%arg0: i32) -> (i32, i32, i32) {
    %c0_i32 = arith.constant 0 : i32
    %c0_i32_0 = arith.constant 0 : i32
    %c0_i32_1 = arith.constant 0 : i32
    return %arg0, %c0_i32, %c0_i32_0 : i32, i32, i32
  }
}

</mosaic_0001>

<sc_bundles>
// kernel: kernel.5.cloned.1.call-start
scs
__scs_entry_jumppad:
0x0: {  	(pc) =	sbr.rel $0x88, $3  }
0x1: {  	(tag) =	ssettag $0x0;
	lr =	simm.s32 $0x1  }
0x2: {  	[smem:$0x3F9A] =	sst lr;
	_ =	strace $0xD0000000  }
0x3: {  	_ = 	snop  }
0x4: {  	_ = 	snop  }
0x5: {  	_ = 	snop  }
0x6: {  	_ = 	snop  }
0x7: {  	_ = 	snop  }
__scs_overlays_trampoline_lowered:
0x8: {  	[smem:$0x3FA9] =	sst s0  }
0x9: {  	[smem:$0x3FAA] =	sst s1  }
0xa: {  	[smem:$0x3FAB] =	sst s2  }
0xb: {  	[smem:$0x3FAC] =	sst s3  }
0xc: {  	[smem:$0x3FAD] =	sst s4  }
0xd: {  	[smem:$0x3FAE] =	sst s5  }
0xe: {  	[smem:$0x3FAF] =	sst s6  }
0xf: {  	[smem:$0x3FB0] =	sst s7  }
0x10: {  	[smem:$0x3FB1] =	sst s8  }
0x11: {  	[smem:$0x3FB2] =	sst s9;
	s0 =	simm.s32 @!p0 $0x0  }
0x12: {  	s1 =	sld [smem:$0x3F98];
	s0 =	simm.s32 @p0 $0x1  }
0x13: {  	[smem:$0x3FB3] =	sst s0;
	s0 =	simm.s32 @!p1 $0x0  }
0x14: {  	s2 =	sld [smem:$0x3F97];
	s0 =	simm.s32 @p1 $0x1  }
0x15: {  	[smem:$0x3FB4] =	sst s0;
	s0 =	simm.s32 @!p2 $0x0  }
0x16: {  	s3 =	sld [smem:$0x3FDB];
	s0 =	simm.s32 @p2 $0x1  }
0x17: {  	s4 =	simm.s32 $0x1BF5;
	[smem:$0x3FB6] =	sst s0  }
0x18: {  	s0 =	sld [smem:$0x3F99];
	_ =	swait.ge [sflag:s4], $0x0  }
0x19: {  	s7 =	sld [smem:$0x3F9A]  }
0x1a: {  	s8 =	sadd.s32 $0xFFFFE003, lr  }
0x1b: {  	s9 =	sadd.s32 $0xFFFFFEF7, lr;
	s5 =	simm.s32 $0xFFFFFFFF;
	p2 =	slt.u32 s8, $0xFFFFF086  }
0x1c: {  	p1 =	slt.u32 s9, $0xF7A;
	s5 =	simm.s32 @!p2 $0x0  }
0x1d: {  	s5 =	simm.s32 @p1 $0x1;
	p0 =	seq.s32 s7, s2  }
0x1e: {  	s7 =	smul.u32 @!p0 $0xF7A, s2;
	p2 =	seq.s32 @!p0 s5, $0x0  }
0x1f: {  	s9 =	smul.u32 $0xF7A, s1;
	s8 =	simm.s32 @!p0 $0x1BF5;
	p2 =	por !p2, p0  }
0x20: {  	[sflag:s8] =	ssyncset.s32 @!p0 $0xFFFFF086;
	s6 =	sadd.s32 @!p0 s3, s7;
	s7 =	simm.s32 @!p0 $0x108  }
0x21: {  	s3 =	sadd.s32 s3, s9;
	s6 =	sadd.s32 @!p0 $0x88, s6;
	s7 =	simm.s32 @p2 $0x1082  }
0x22: {  	[simem:s7], [sflag:s8] =	dma.local @!p0 [hbm:s6], $0xF7A  }
0x23: {  	s9 =	sor.u32 $0xD0000000, s2;
	s6 =	simm.s32 $0x108;
	_ =	swait.ge @!p0 [sflag:s8], $0x0  }
0x24: {  	s3 =	sadd.s32 $0x88, s3;
	s6 =	simm.s32 @!p1 $0x1082;
	[sflag:s4] =	ssyncset.s32 $0xFFFFF086  }
0x25: {  	[simem:s6], [sflag:s4] =	dma.local [hbm:s3], $0xF7A  }
0x26: {  	[smem:$0x3F9A] =	sst s1;
	(tag) =	ssettag s2;
	_ =	strace s9  }
0x27: {  	s1 =	sld [smem:$0x3FAA]  }
0x28: {  	s2 =	sld [smem:$0x3FAB]  }
0x29: {  	s4 =	sld [smem:$0x3FAD]  }
0x2a: {  	p0 =	seq.s32 s5, $0x0;
	s5 =	sld [smem:$0x3FAE]  }
0x2b: {  	s6 =	sld [smem:$0x3FAF]  }
0x2c: {  	s7 =	sld [smem:$0x3FB0]  }
0x2d: {  	s3 =	simm.s32 $0x108;
	s8 =	sld [smem:$0x3FB1]  }
0x2e: {  	s3 =	simm.s32 @!p0 $0x1082;
	s9 =	sld [smem:$0x3FB2]  }
0x2f: {  	lr =	sadd.s32 s0, s3;
	s0 =	sld [smem:$0x3FA9]  }
0x30: {  	s3 =	sld [smem:$0x3FAC]  }
0x31: {  	[smem:$0x3FB5] =	sst s10  }
0x32: {  	s10 =	sld [smem:$0x3FB3];
	_ =	sdelay $0x3  }
0x33: {  	p0 =	seq.s32 s10, $0x1;
	s10 =	sld [smem:$0x3FB5];
	_ =	sdelay $0x3  }
0x34: {  	[smem:$0x3FB5] =	sst s10  }
0x35: {  	s10 =	sld [smem:$0x3FB4];
	_ =	sdelay $0x3  }
0x36: {  	p1 =	seq.s32 s10, $0x1;
	s10 =	sld [smem:$0x3FB5];
	_ =	sdelay $0x3  }
0x37: {  	[smem:$0x3FB5] =	sst s10  }
0x38: {  	s10 =	sld [smem:$0x3FB6]  }
0x39: {  	_ = 	snop;
	(pc) =	sbr.ind lr, $3  }
0x3a: {  	_ = 	snop  }
0x3b: {  	_ = 	snop  }
0x3c: {  	p2 =	seq.s32 s10, $0x1;
	s10 =	sld [smem:$0x3FB5]  }
0x3d: {  	_ =	shalt  }
0x3e: {  	_ =	shalt  }
0x3f: {  	_ =	shalt  }
0x40: {  	_ =	shalt  }
0x41: {  	_ =	shalt  }
0x42: {  	_ =	shalt  }
0x43: {  	_ =	shalt  }
0x44: {  	_ =	shalt  }
0x45: {  	_ =	shalt  }
0x46: {  	_ =	shalt  }
0x47: {  	_ =	shalt  }
0x48: {  	_ =	shalt  }
0x49: {  	_ =	shalt  }
0x4a: {  	_ =	shalt  }
0x4b: {  	_ =	shalt  }
0x4c: {  	_ =	shalt  }
0x4d: {  	_ =	shalt  }
0x4e: {  	_ =	shalt  }
0x4f: {  	_ =	shalt  }
0x50: {  	_ =	shalt  }
0x51: {  	_ =	shalt  }
0x52: {  	_ =	shalt  }
0x53: {  	_ =	shalt  }
0x54: {  	_ =	shalt  }
0x55: {  	_ =	shalt  }
0x56: {  	_ =	shalt  }
0x57: {  	_ =	shalt  }
0x58: {  	_ =	shalt  }
0x59: {  	_ =	shalt  }
0x5a: {  	_ =	shalt  }
0x5b: {  	_ =	shalt  }
0x5c: {  	_ =	shalt  }
0x5d: {  	_ =	shalt  }
0x5e: {  	_ =	shalt  }
0x5f: {  	_ =	shalt  }
0x60: {  	_ =	shalt  }
0x61: {  	_ =	shalt  }
0x62: {  	_ =	shalt  }
0x63: {  	_ =	shalt  }
0x64: {  	_ =	shalt  }
0x65: {  	_ =	shalt  }
0x66: {  	_ =	shalt  }
0x67: {  	_ =	shalt  }
0x68: {  	_ =	shalt  }
0x69: {  	_ =	shalt  }
0x6a: {  	_ =	shalt  }
0x6b: {  	_ =	shalt  }
0x6c: {  	_ =	shalt  }
0x6d: {  	_ =	shalt  }
0x6e: {  	_ =	shalt  }
0x6f: {  	_ =	shalt  }
0x70: {  	_ =	shalt  }
0x71: {  	_ =	shalt  }
0x72: {  	_ =	shalt  }
0x73: {  	_ =	shalt  }
0x74: {  	_ =	shalt  }
0x75: {  	_ =	shalt  }
0x76: {  	_ =	shalt  }
0x77: {  	_ =	shalt  }
0x78: {  	_ =	shalt  }
0x79: {  	_ =	shalt  }
0x7a: {  	_ =	shalt  }
0x7b: {  	_ =	shalt  }
0x7c: {  	_ =	shalt  }
0x7d: {  	_ =	shalt  }
0x7e: {  	_ =	shalt  }
0x7f: {  	_ =	shalt  }
0x80: {  	_ =	shalt  }
0x81: {  	_ =	shalt  }
0x82: {  	_ =	shalt  }
0x83: {  	_ =	shalt  }
0x84: {  	_ =	shalt  }
0x85: {  	_ =	shalt  }
0x86: {  	_ =	shalt  }
0x87: {  	_ =	shalt  }
.Lfunc_end0:
.L_simem_size_0:
called_computation_lowered:
.L_overlay_start_0:
0x88: {  	s2 =	sld [smem:$0x3FD9]  }
0x89: {  	s3 =	sld [smem:$0x3FFE];
	_ =	sdelay $0x1  }
0x8a: {  	s1 =	srdreg.scid  }
0x8b: {  	s0 =	sand.u32 $0x1, s1  }
0x8c: {  	s17 =	sshll.u32 s0, $0xA;
	s2 =	sadd.s32 s3, s2  }
0x8d: {  	s2 =	sadd.s32 s2, s17  }
0x8e: {  	[smem:$0x3FC1] =	sst s2  }
0x8f: {  	_ = 	snop  }
0x90: {  	s2 =	sld [smem:$0x3FD0];
	(tm) =	ssettm $0x1  }
0x91: {  	s18 =	sld [smem:$0x3FFB];
	_ =	sdelay $0x3  }
0x92: {  	_ =	strace s18  }
0x93: {  	s3 =	sld [smem:$0x3FFC];
	_ =	sdelay $0x3  }
0x94: {  	_ =	strace s3  }
0x95: {  	s3 =	sld [smem:$0x3FFD];
	_ =	sdelay $0x3  }
0x96: {  	_ =	strace s3  }
0x97: {  	_ =	strace $0x8FFFFFFF  }
0x98: {  	s19 =	sld [smem:$0x3FDB];
	_ =	sdelay $0x1  }
0x99: {  	s4 =	simm.s32 $_scs_section_size  }
0x9a: {  	s5 =	simm.s32 $_size__tile_overlayer_lowered;
	s6 =	simm.s32 $_tile_overlayer_lowered  }
0x9b: {  	s22 =	simm.s32 $0x1BFF;
	s21 =	sshll.u32 s6, $0x1;
	s3 =	sadd.s32 s4, s19  }
0x9c: {  	s7 =	simm.s32 $0x0;
	s20 =	sshll.u32 s5, $0x1;
	s5 =	sadd.s32 s21, s3  }
0x9d: {  	[timem:s7], [sflag:s22] =	dma.local [hbm:s5], s20  }
0x9e: {  	_ =	swait.ge [sflag:s22], s20  }
0x9f: {  	s4 =	ssub.s32 $0x0, s20;
	[sflag:s22] =	ssyncset.done $0x0  }
0xa0: {  	[sflag:s22] =	ssyncadd.s32 s4;
	_ =	sdelay $0x1  }
0xa1: {  	s23 =	simm.s32 $0x1B8B  }
0xa2: {  	_ =	swait.ge [sflag:s23], $0x1  }
0xa3: {  	[sflag:s23] =	ssyncset.done $0x0  }
0xa4: {  	s25 =	simm.s32 $0x1B8E;
	s24 =	sld [smem:$0x3FFE];
	[sflag:s23] =	ssyncadd.s32 $0xFFFFFFFF  }
0xa5: {  	s26 =	simm.s32 $execute0_lowered;
	[smem:$0x3FD2] =	sst s25  }
0xa6: {  	s5 =	sshll.u32 s26, $0x1;
	_ =	strace $0x80000046;
	[dreg:$0x1] =	wrdreg $0xFFFFFFFF  }
0xa7: {  	s28 =	simm.s32 $_size_execute0_lowered;
	s3 =	sadd.s32 s3, s5;
	[dreg:$0x0] =	wrdreg $0x0  }
0xa8: {  	s5 =	sshll.u32 s28, $0x1;
	[dreg:$0x2] =	wrdreg s3  }
0xa9: {  	[dreg:$0x3] =	wrdreg s5  }
0xaa: {  	[dreg:$0x4] =	wrdreg $0xC0  }
0xab: {  	_ =	task [dreg:s7], $0x5FFFF  }
0xac: {  	[dreg:$0x1] =	wrdreg $0xFFFFFFFF  }
0xad: {  	[dreg:$0x0] =	wrdreg $0x60  }
0xae: {  	[dreg:$0x2] =	wrdreg s2  }
0xaf: {  	[dreg:$0x3] =	wrdreg s24  }
0xb0: {  	[dreg:$0x4] =	wrdreg $0x9  }
0xb1: {  	_ =	task.clear_ibuf [dreg:s7], $0x5FFFF;
	_ =	strace $0x90000046  }
0xb2: {  	s29 =	simm.s32 $0x9;
	_ =	strace $0x80000048  }
0xb3: {  	_ =	swait.ge [sflag:s29], $0x1  }
0xb4: {  	[sflag:s29] =	ssyncadd.s32 $0xFFFFFFFF  }
0xb5: {  	_ =	strace $0x90000048  }
0xb6: {  	_ =	sfence  }
0xb7: {  	s30 =	sld [smem:$0x0];
	_ =	sdelay $0x2  }
0xb8: {  	s31 =	sshll.u32 s1, $0xD;
	s1 =	sshrl.u32 s1, $0x2  }
0xb9: {  	s3 =	sand.u32 $0x4000, s31;
	s1 =	sadd.s32 s1, s30  }
0xba: {  	s0 =	sor.u32 s3, s0;
	s1 =	sshll.u32 s1, $0x11  }
0xbb: {  	s0 =	sor.u32 s1, s0  }
0xbc: {  	s0 =	sadd.s32 $0x8F2B, s0  }
0xbd: {  	[sflag:s0] =	ssyncadd.remote.s32 $0x1  }
0xbe: {  	_ =	sfence.sel $0xFFFF  }
0xbf: {  	[dreg:$0x0] =	wrdreg $0xFFFFFFFF;
	(pc) =	sbr.abs _section_cstart, $3  }
0xc0: {  	[dreg:$0x1] =	wrdreg $0xFFFFFFFF  }
0xc1: {  	_ =	task.clear_ibuf [dreg:s7], $0x2FFFF;
	_ =	strace $0x9FFFFFFF  }
0xc2: {  	(tm) =	ssettm $0x7FFFFFFF  }
0xc3: {  	_ =	shalt  }
tec
execute0_lowered:
.L_overlay_start_1:
0x0: {  	(tag) =	ssettag $0x1  }
0x1: {  	s7 =	rddreg [dreg:$0x0]  }
0x2: {  	s4 =	rddreg [dreg:$0x1]  }
0x3: {  	s0 =	rddreg [dreg:$0x2];
	s2 =	simm.s32 $0x0;
	s3 =	srdreg.scid  }
0x4: {  	s1 =	stileid.u32;
	s12 =	simm.s32 $0x1;
	s13 =	simm.s32 $0x100  }
0x5: {  	s14 =	simm.s32 $0x8200;
	s15 =	simm.s32 $0x2;
	s16 =	simm.s32 $0x180  }
0x6: {  	s17 =	simm.s32 $0xC200;
	s18 =	simm.s32 $0x3;
	s19 =	simm.s32 $0x4  }
0x7: {  	s20 =	simm.s32 $0x5;
	s21 =	simm.s32 $0x6;
	s22 =	simm.s32 $0x7  }
0x8: {  	s23 =	simm.s32 $0x8;
	[smem:$0x7FF] =	sst s2;
	s6 =	sand.u32 $0x1, s3  }
0x9: {  	s5 =	sshll.u32 s1, $0xF;
	s3 =	sadd.s32 $0x1000, s4;
	s9 =	sshll.u32 s1, $0x13  }
0xa: {  	_ =	strace $0x80000047;
	s8 =	sshll.u32 s6, $0xE;
	s9 =	sadd.s32 s9, s4  }
0xb: {  	s24 =	ssub.s32 $0x2, s6;
	s6 =	sshll.u32 s6, $0x12;
	s8 =	sor.u32 s8, s5  }
0xc: {  	s10 =	sshrl.u32 s24, $0x1;
	s6 =	sadd.s32 s6, s9;
	s9 =	simm.s32 $0x80  }
0xd: {  	s5 =	sor.u32 $0x200, s8;
	s11 =	sshrl.u32 s8, $0x3;
	s10 =	ssub.s32 s24, s10  }
0xe: {  	s26 =	sor.u32 $0x180, s8;
	s28 =	sor.u32 $0x100, s8;
	s8 =	sor.u32 $0x80, s8  }
0xf: {  	s6 =	sadd.s32 $0x7D1000, s6;
	s24 =	simm.s32 $0x0;
	s5 =	sshrl.u32 s5, $0x3  }
0x10: {  	s4 =	sadd.s32 s7, s11;
	s30 =	sshrl.u32 s28, $0x3;
	s8 =	sshrl.u32 s8, $0x3  }
0x11: {  	s11 =	simm.s32 $0x4200;
	s25 =	sadd.s32 s5, s7;
	s5 =	smax.u32 s10, $0x1  }
0x12: {  	s10 =	sshrl.u32 s26, $0x3;
	s31 =	sadd.s32 s30, s7;
	[dreg:$0x3] =	wrdreg s25  }
0x13: {  	s29 =	sadd.s32 s10, s7;
	[dreg:$0x5] =	wrdreg s31;
	s7 =	sadd.s32 s8, s7  }
0x14: {  	v0 =	vimm.s32 $0xFFF83000;
	s8 =	simm.s32 $0x9;
	s10 =	simm.s32 $0x200;
	[dreg:$0x4] =	wrdreg s29  }
.LBB2_1:
0x15: {  	[tilespmem:s2], [sflag:$0x9] =	stream.linear.gather [hbm4b:s4+s2], $0x80, $0x38;
	[tilespmem:$0x10200] =	vst v63  }
0x16: {  	_ =	swait.ge [sflag:s8], $0x80  }
0x17: {  	[sflag:s8] =	ssyncset.done $0x0  }
0x18: {  	[sflag:s8] =	ssyncadd.s32 $0xFFFFFF80  }
0x19: {  	v1 =	vld [tilespmem:$0x0]  }
0x1a: {  	v2 =	vld [tilespmem:$0x10]  }
0x1b: {  	v3 =	vld [tilespmem:$0x20]  }
0x1c: {  	v4 =	vld [tilespmem:$0x30]  }
0x1d: {  	v5 =	vld [tilespmem:$0x40]  }
0x1e: {  	v6 =	vld [tilespmem:$0x50];
	vm0 =	vlt.s32 v1, $0x7D000  }
0x1f: {  	v8 =	vld [tilespmem:$0x60];
	vm9 =	vlt.s32 v2, $0x7D000;
	v7 =	vsel vm0, $0x0, v0  }
0x20: {  	v9 =	vld [tilespmem:$0x70];
	vm10 =	vlt.s32 v3, $0x7D000;
	v63 =	vsel vm9, $0x0, v0;
	v1 =	vadd.s32 v1, v7  }
0x21: {  	vm11 =	vlt.s32 v4, $0x7D000;
	[tilespmem:$0x0] =	vst v1;
	v1 =	vadd.s32 v2, v63;
	v2 =	vsel vm10, $0x0, v0  }
0x22: {  	vm12 =	vlt.s32 v5, $0x7D000;
	[tilespmem:$0x10] =	vst v1;
	v1 =	vadd.s32 v3, v2;
	v2 =	vsel vm11, $0x0, v0  }
0x23: {  	vm13 =	vlt.s32 v6, $0x7D000;
	[tilespmem:$0x20] =	vst v1;
	v1 =	vadd.s32 v4, v2;
	v2 =	vsel vm12, $0x0, v0  }
0x24: {  	vm14 =	vlt.s32 v8, $0x7D000;
	[tilespmem:$0x30] =	vst v1;
	v1 =	vadd.s32 v5, v2;
	v2 =	vsel vm13, $0x0, v0  }
0x25: {  	vm15 =	vlt.s32 v9, $0x7D000;
	[tilespmem:$0x40] =	vst v1;
	v1 =	vadd.s32 v6, v2;
	v2 =	vsel vm14, $0x0, v0  }
0x26: {  	[tilespmem:$0x50] =	vst v1;
	v1 =	vadd.s32 v8, v2;
	v2 =	vsel vm15, $0x0, v0  }
0x27: {  	[tilespmem:$0x60] =	vst v1;
	v1 =	vadd.s32 v9, v2  }
0x28: {  	s25 =	smov.u32 s6;
	s26 =	simm.s32 $0x0;
	[tilespmem:$0x70] =	vst v1  }
0x29: {  	[tilespmem:s10], [sflag:$0x1] =	stream.indirect.gather [hbm4b:s3+s9], $0x80, s2, s9, $0xb8;
	[tilespmem:$0x10200] =	vst v63  }
.LBB2_2:
0x2a: {  	p0 =	seq.s32 s26, $0x0  }
0x2b: {  	s28 =	simm.s32 @!p0 $0x6  }
0x2c: {  	_ =	swait.ge @!p0 [sflag:s28], $0x4000  }
0x2d: {  	[sflag:s28] =	ssyncset.done @!p0 $0x0  }
0x2e: {  	s31 =	sadd.s32 s26, s7;
	[sflag:s28] =	ssyncadd.s32 @!p0 $0xFFFFC000  }
0x2f: {  	[tilespmem:s9], [sflag:$0x9] =	stream.linear.gather [hbm4b:s31+s2], $0x80, $0x38;
	[tilespmem:$0x10200] =	vst v63  }
0x30: {  	_ =	swait.ge [sflag:s8], $0x80  }
0x31: {  	[sflag:s8] =	ssyncset.done $0x0  }
0x32: {  	[sflag:s8] =	ssyncadd.s32 $0xFFFFFF80  }
0x33: {  	v1 =	vld [tilespmem:$0x80]  }
0x34: {  	v2 =	vld [tilespmem:$0x90]  }
0x35: {  	v3 =	vld [tilespmem:$0xA0]  }
0x36: {  	v4 =	vld [tilespmem:$0xB0]  }
0x37: {  	v5 =	vld [tilespmem:$0xC0]  }
0x38: {  	v6 =	vld [tilespmem:$0xD0];
	vm0 =	vlt.s32 v1, $0x7D000  }
0x39: {  	v8 =	vld [tilespmem:$0xE0];
	vm5 =	vlt.s32 v2, $0x7D000;
	v7 =	vsel vm0, $0x0, v0  }
0x3a: {  	v9 =	vld [tilespmem:$0xF0];
	vm6 =	vlt.s32 v3, $0x7D000;
	v49 =	vsel vm5, $0x0, v0;
	v1 =	vadd.s32 v1, v7  }
0x3b: {  	vm7 =	vlt.s32 v4, $0x7D000;
	[tilespmem:$0x80] =	vst v1;
	v1 =	vadd.s32 v2, v49;
	v2 =	vsel vm6, $0x0, v0  }
0x3c: {  	vm8 =	vlt.s32 v5, $0x7D000;
	[tilespmem:$0x90] =	vst v1;
	v1 =	vadd.s32 v3, v2;
	v2 =	vsel vm7, $0x0, v0  }
0x3d: {  	vm9 =	vlt.s32 v6, $0x7D000;
	[tilespmem:$0xA0] =	vst v1;
	v1 =	vadd.s32 v4, v2;
	v2 =	vsel vm8, $0x0, v0  }
0x3e: {  	vm10 =	vlt.s32 v8, $0x7D000;
	[tilespmem:$0xB0] =	vst v1;
	v1 =	vadd.s32 v5, v2;
	v2 =	vsel vm9, $0x0, v0  }
0x3f: {  	vm11 =	vlt.s32 v9, $0x7D000;
	[tilespmem:$0xC0] =	vst v1;
	v1 =	vadd.s32 v6, v2;
	v2 =	vsel vm10, $0x0, v0  }
0x40: {  	[tilespmem:$0xD0] =	vst v1;
	v1 =	vadd.s32 v8, v2;
	v2 =	vsel vm11, $0x0, v0  }
0x41: {  	[tilespmem:$0xE0] =	vst v1;
	v1 =	vadd.s32 v9, v2  }
0x42: {  	[tilespmem:$0xF0] =	vst v1  }
0x43: {  	[tilespmem:s11], [sflag:$0x2] =	stream.indirect.gather [hbm4b:s3+s9], $0x80, s9, s9, $0xb8;
	[tilespmem:$0x10200] =	vst v63  }
0x44: {  	_ =	swait.ge [sflag:s12], $0x4000  }
0x45: {  	[sflag:s12] =	ssyncset.done $0x0  }
0x46: {  	s28 =	simm.s32 @!p0 $0x7;
	[sflag:s12] =	ssyncadd.s32 $0xFFFFC000  }
0x47: {  	[hbm4b:s25+s2] =	stream.linear.scatter [tilespmem:s10], [sflag:$0x5], $0x4000, $0x38;
	[tilespmem:$0x10200] =	vst v63  }
0x48: {  	_ =	swait.ge @!p0 [sflag:s28], $0x4000  }
0x49: {  	s29 =	rddreg [dreg:$0x5];
	[sflag:s28] =	ssyncset.done @!p0 $0x0  }
0x4a: {  	[sflag:s28] =	ssyncadd.s32 @!p0 $0xFFFFC000;
	s29 =	sadd.s32 s26, s29  }
0x4b: {  	[tilespmem:s13], [sflag:$0x9] =	stream.linear.gather [hbm4b:s29+s2], $0x80, $0x38;
	[tilespmem:$0x10200] =	vst v63  }
0x4c: {  	_ =	swait.ge [sflag:s8], $0x80  }
0x4d: {  	[sflag:s8] =	ssyncset.done $0x0  }
0x4e: {  	[sflag:s8] =	ssyncadd.s32 $0xFFFFFF80  }
0x4f: {  	v1 =	vld [tilespmem:$0x100]  }
0x50: {  	v2 =	vld [tilespmem:$0x110]  }
0x51: {  	v3 =	vld [tilespmem:$0x120]  }
0x52: {  	v50 =	vld [tilespmem:$0x130]  }
0x53: {  	v51 =	vld [tilespmem:$0x140]  }
0x54: {  	v52 =	vld [tilespmem:$0x150];
	vm12 =	vlt.s32 v1, $0x7D000  }
0x55: {  	v54 =	vld [tilespmem:$0x160];
	vm13 =	vlt.s32 v2, $0x7D000;
	v53 =	vsel vm12, $0x0, v0  }
0x56: {  	v56 =	vld [tilespmem:$0x170];
	vm14 =	vlt.s32 v3, $0x7D000;
	v55 =	vsel vm13, $0x0, v0;
	v1 =	vadd.s32 v1, v53  }
0x57: {  	vm15 =	vlt.s32 v50, $0x7D000;
	[tilespmem:$0x100] =	vst v1;
	v1 =	vadd.s32 v2, v55;
	v2 =	vsel vm14, $0x0, v0  }
0x58: {  	vm4 =	vlt.s32 v51, $0x7D000;
	[tilespmem:$0x110] =	vst v1;
	v1 =	vadd.s32 v3, v2;
	v2 =	vsel vm15, $0x0, v0  }
0x59: {  	vm5 =	vlt.s32 v52, $0x7D000;
	[tilespmem:$0x120] =	vst v1;
	v1 =	vadd.s32 v50, v2;
	v2 =	vsel vm4, $0x0, v0  }
0x5a: {  	vm6 =	vlt.s32 v54, $0x7D000;
	[tilespmem:$0x130] =	vst v1;
	v1 =	vadd.s32 v51, v2;
	v2 =	vsel vm5, $0x0, v0  }
0x5b: {  	vm7 =	vlt.s32 v56, $0x7D000;
	[tilespmem:$0x140] =	vst v1;
	v1 =	vadd.s32 v52, v2;
	v2 =	vsel vm6, $0x0, v0  }
0x5c: {  	[tilespmem:$0x150] =	vst v1;
	v1 =	vadd.s32 v54, v2;
	v2 =	vsel vm7, $0x0, v0  }
0x5d: {  	[tilespmem:$0x160] =	vst v1;
	v1 =	vadd.s32 v56, v2  }
0x5e: {  	[tilespmem:$0x170] =	vst v1  }
0x5f: {  	[tilespmem:s14], [sflag:$0x3] =	stream.indirect.gather [hbm4b:s3+s9], $0x80, s13, s9, $0xb8;
	[tilespmem:$0x10200] =	vst v63  }
0x60: {  	_ =	swait.ge [sflag:s15], $0x4000  }
0x61: {  	[sflag:s15] =	ssyncset.done $0x0  }
0x62: {  	s30 =	sadd.s32 $0x800, s25;
	s28 =	simm.s32 @!p0 $0x8;
	[sflag:s15] =	ssyncadd.s32 $0xFFFFC000  }
0x63: {  	[hbm4b:s30+s2] =	stream.linear.scatter [tilespmem:s11], [sflag:$0x6], $0x4000, $0x38;
	[tilespmem:$0x10200] =	vst v63  }
0x64: {  	_ =	swait.ge @!p0 [sflag:s28], $0x4000  }
0x65: {  	s31 =	rddreg [dreg:$0x4];
	[sflag:s28] =	ssyncset.done @!p0 $0x0  }
0x66: {  	[sflag:s28] =	ssyncadd.s32 @!p0 $0xFFFFC000;
	s29 =	sadd.s32 s26, s31  }
0x67: {  	[tilespmem:s16], [sflag:$0x9] =	stream.linear.gather [hbm4b:s29+s2], $0x80, $0x38;
	[tilespmem:$0x10200] =	vst v63  }
0x68: {  	_ =	swait.ge [sflag:s8], $0x80  }
0x69: {  	[sflag:s8] =	ssyncset.done $0x0  }
0x6a: {  	[sflag:s8] =	ssyncadd.s32 $0xFFFFFF80  }
0x6b: {  	v1 =	vld [tilespmem:$0x180]  }
0x6c: {  	v2 =	vld [tilespmem:$0x190]  }
0x6d: {  	v3 =	vld [tilespmem:$0x1A0]  }
0x6e: {  	v57 =	vld [tilespmem:$0x1B0]  }
0x6f: {  	v58 =	vld [tilespmem:$0x1C0]  }
0x70: {  	v59 =	vld [tilespmem:$0x1D0];
	vm8 =	vlt.s32 v1, $0x7D000  }
0x71: {  	v61 =	vld [tilespmem:$0x1E0];
	vm9 =	vlt.s32 v2, $0x7D000;
	v60 =	vsel vm8, $0x0, v0  }
0x72: {  	v63 =	vld [tilespmem:$0x1F0];
	vm10 =	vlt.s32 v3, $0x7D000;
	v62 =	vsel vm9, $0x0, v0;
	v1 =	vadd.s32 v1, v60  }
0x73: {  	vm11 =	vlt.s32 v57, $0x7D000;
	[tilespmem:$0x180] =	vst v1;
	v1 =	vadd.s32 v2, v62;
	v2 =	vsel vm10, $0x0, v0  }
0x74: {  	vm12 =	vlt.s32 v58, $0x7D000;
	[tilespmem:$0x190] =	vst v1;
	v1 =	vadd.s32 v3, v2;
	v2 =	vsel vm11, $0x0, v0  }
0x75: {  	vm13 =	vlt.s32 v59, $0x7D000;
	[tilespmem:$0x1A0] =	vst v1;
	v1 =	vadd.s32 v57, v2;
	v2 =	vsel vm12, $0x0, v0  }
0x76: {  	vm14 =	vlt.s32 v61, $0x7D000;
	[tilespmem:$0x1B0] =	vst v1;
	v1 =	vadd.s32 v58, v2;
	v2 =	vsel vm13, $0x0, v0  }
0x77: {  	vm15 =	vlt.s32 v63, $0x7D000;
	[tilespmem:$0x1C0] =	vst v1;
	v1 =	vadd.s32 v59, v2;
	v2 =	vsel vm14, $0x0, v0  }
0x78: {  	[tilespmem:$0x1D0] =	vst v1;
	v1 =	vadd.s32 v61, v2;
	v2 =	vsel vm15, $0x0, v0  }
0x79: {  	[tilespmem:$0x1E0] =	vst v1;
	v1 =	vadd.s32 v63, v2  }
0x7a: {  	[tilespmem:$0x1F0] =	vst v1  }
0x7b: {  	[tilespmem:s17], [sflag:$0x4] =	stream.indirect.gather [hbm4b:s3+s9], $0x80, s16, s9, $0xb8;
	[tilespmem:$0x10200] =	vst v63  }
0x7c: {  	_ =	swait.ge [sflag:s18], $0x4000  }
0x7d: {  	p0 =	seq.s32 s26, $0x7C0;
	[sflag:s18] =	ssyncset.done $0x0  }
0x7e: {  	s30 =	sadd.s32 $0x1000, s25;
	s28 =	simm.s32 @!p0 $0x5;
	[sflag:s18] =	ssyncadd.s32 $0xFFFFC000  }
0x7f: {  	[hbm4b:s30+s2] =	stream.linear.scatter [tilespmem:s14], [sflag:$0x7], $0x4000, $0x38;
	[tilespmem:$0x10200] =	vst v63  }
0x80: {  	_ =	swait.ge @!p0 [sflag:s28], $0x4000  }
0x81: {  	s29 =	rddreg [dreg:$0x3];
	[sflag:s28] =	ssyncset.done @!p0 $0x0  }
0x82: {  	[sflag:s28] =	ssyncadd.s32 @!p0 $0xFFFFC000;
	s28 =	sadd.s32 @!p0 s26, s29;
	s29 =	simm.s32 @!p0 $0x0  }
0x83: {  	[tilespmem:s29], [sflag:$0x9] =	stream.linear.gather @!p0 [hbm4b:s28+s29], $0x80, $0x38;
	[tilespmem:$0x10200] =	vst v63  }
0x84: {  	s28 =	simm.s32 @!p0 $0x9  }
0x85: {  	_ =	swait.ge @!p0 [sflag:s28], $0x80  }
0x86: {  	[sflag:s28] =	ssyncset.done @!p0 $0x0  }
0x87: {  	[sflag:s28] =	ssyncadd.s32 @!p0 $0xFFFFFF80  }
0x88: {  	v1 =	vld @!p0 [tilespmem:$0x0]  }
0x89: {  	v2 =	vld @!p0 [tilespmem:$0x10]  }
0x8a: {  	v3 =	vld @!p0 [tilespmem:$0x20]  }
0x8b: {  	v4 =	vld @!p0 [tilespmem:$0x30]  }
0x8c: {  	v5 =	vld @!p0 [tilespmem:$0x40]  }
0x8d: {  	v6 =	vimm.s32 @!p0 $0xFFF83000;
	v7 =	vld @!p0 [tilespmem:$0x50];
	vm0 =	vlt.s32 @!p0 v1, $0x7D000  }
0x8e: {  	v9 =	vld @!p0 [tilespmem:$0x60];
	v8 =	vsel @!p0 vm0, $0x0, v6;
	vm0 =	vlt.s32 @!p0 v2, $0x7D000  }
0x8f: {  	v10 =	vld @!p0 [tilespmem:$0x70];
	v1 =	vadd.s32 @!p0 v1, v8;
	v8 =	vsel @!p0 vm0, $0x0, v6;
	vm0 =	vlt.s32 @!p0 v3, $0x7D000  }
0x90: {  	[tilespmem:$0x0] =	vst @!p0 v1;
	v1 =	vadd.s32 @!p0 v2, v8;
	v2 =	vsel @!p0 vm0, $0x0, v6;
	vm0 =	vlt.s32 @!p0 v4, $0x7D000  }
0x91: {  	[tilespmem:$0x10] =	vst @!p0 v1;
	v1 =	vadd.s32 @!p0 v3, v2;
	v2 =	vsel @!p0 vm0, $0x0, v6;
	vm0 =	vlt.s32 @!p0 v5, $0x7D000  }
0x92: {  	[tilespmem:$0x20] =	vst @!p0 v1;
	v1 =	vadd.s32 @!p0 v4, v2;
	v2 =	vsel @!p0 vm0, $0x0, v6;
	vm0 =	vlt.s32 @!p0 v7, $0x7D000  }
0x93: {  	[tilespmem:$0x30] =	vst @!p0 v1;
	v1 =	vadd.s32 @!p0 v5, v2;
	v2 =	vsel @!p0 vm0, $0x0, v6;
	vm0 =	vlt.s32 @!p0 v9, $0x7D000  }
0x94: {  	[tilespmem:$0x40] =	vst @!p0 v1;
	v1 =	vadd.s32 @!p0 v7, v2;
	v2 =	vsel @!p0 vm0, $0x0, v6;
	vm0 =	vlt.s32 @!p0 v10, $0x7D000  }
0x95: {  	[tilespmem:$0x50] =	vst @!p0 v1;
	v1 =	vadd.s32 @!p0 v9, v2;
	v2 =	vsel @!p0 vm0, $0x0, v6  }
0x96: {  	[tilespmem:$0x60] =	vst @!p0 v1;
	v1 =	vadd.s32 @!p0 v10, v2  }
0x97: {  	s30 =	simm.s32 @!p0 $0x200;
	s26 =	sadd.s32 $0x40, s26;
	s28 =	simm.s32 @!p0 $0x80;
	[tilespmem:$0x70] =	vst @!p0 v1  }
0x98: {  	[tilespmem:s30], [sflag:$0x1] =	stream.indirect.gather @!p0 [hbm4b:s3+s28], $0x80, s29, s28, $0xb8;
	[tilespmem:$0x10200] =	vst v63  }
0x99: {  	p0 =	sne.s32 s26, $0x800  }
.Ltmp0:
0x9a: {  	_ = 	snop;
	(pc) =	sbr.rel @p0 .LBB2_2-.Ltmp0, $4  }
0x9b: {  	_ =	swait.ge [sflag:s19], $0x4000  }
0x9c: {  	[sflag:s19] =	ssyncset.done $0x0  }
0x9d: {  	s31 =	sadd.s32 $0x1800, s25;
	s25 =	sadd.s32 $0x2000, s25;
	[sflag:s19] =	ssyncadd.s32 $0xFFFFC000  }
0x9e: {  	[hbm4b:s31+s2] =	stream.linear.scatter [tilespmem:s17], [sflag:$0x8], $0x4000, $0x38;
	[tilespmem:$0x10200] =	vst v63  }
0x9f: {  	_ =	swait.ge [sflag:s20], $0x4000  }
0xa0: {  	[sflag:s20] =	ssyncset.done $0x0  }
0xa1: {  	[sflag:s20] =	ssyncadd.s32 $0xFFFFC000  }
0xa2: {  	_ =	swait.ge [sflag:s21], $0x4000  }
0xa3: {  	[sflag:s21] =	ssyncset.done $0x0  }
0xa4: {  	s24 =	sadd.s32 $0x1, s24;
	[sflag:s21] =	ssyncadd.s32 $0xFFFFC000  }
0xa5: {  	p0 =	sne.s32 s24, s5;
	_ =	swait.ge [sflag:s22], $0x4000  }
.Ltmp1:
0xa6: {  	[sflag:s22] =	ssyncset.done $0x0;
	(pc) =	sbr.rel @p0 .LBB2_1-.Ltmp1, $4  }
0xa7: {  	[sflag:s22] =	ssyncadd.s32 $0xFFFFC000  }
0xa8: {  	_ =	swait.ge [sflag:s23], $0x4000  }
0xa9: {  	[sflag:s23] =	ssyncset.done $0x0  }
0xaa: {  	[sflag:s23] =	ssyncadd.s32 $0xFFFFC000  }
0xab: {  	_ =	sfence.sel $0x180000  }
0xac: {  	[bflag:$0x0] =	sbarrier.arrive $0xFFFF  }
0xad: {  	p0 =	sne.s32 s1, $0x0;
	_ =	strace $0x90000047  }
0xae: {  	s0 =	sadd.s32 @!p0 $0x100000, s0;
	[bflag:$0x2] =	sbarrier.arrive $0xFFFF  }
0xaf: {  	[sflag:s0] =	ssyncadd.tile.s32 @!p0 $0x1;
	_ =	shalt  }
.Lfunc_end2:
_tile_overlayer_lowered:
.L_overlay_start_2:
0xb0: {  	(tag) =	ssettag $0x2  }
0xb1: {  	s0 =	rddreg [dreg:$0x0];
	s2 =	stileid.u32  }
0xb2: {  	s1 =	rddreg [dreg:$0x1];
	p0 =	sne.s32 s2, $0x0  }
0xb3: {  	s3 =	rddreg [dreg:$0x2];
	[bflag:$0x3] =	sbarrier.arrive $0xFFFF;
	s2 =	simm.s32 @!p0 $0x1C09  }
0xb4: {  	[timem:s3], [sflag:s2] =	dma.local @!p0 [hbm:s0], s1  }
0xb5: {  	s0 =	simm.s32 @!p0 $0x9  }
0xb6: {  	_ =	swait.ge @!p0 [sflag:s0], s1  }
0xb7: {  	s1 =	ssub.s32 @!p0 $0x0, s1;
	[sflag:s0] =	ssyncset.done @!p0 $0x0  }
0xb8: {  	[sflag:s0] =	ssyncadd.s32 @!p0 s1  }
0xb9: {  	[bflag:$0x3] =	sbarrier.arrive $0xFFFF  }
0xba: {  	_ =	shalt  }

</sc_bundles>
